<compile_context>
chip_gen: v7x
topology: tpu7x:2x2x1
jax: 0.10.2.dev20260603
libtpu: 0.0.44.dev20260713+nightly
codegen_flags: <defaults>
</compile_context>

<pallas_src>
import functools

import jax
import jax.numpy as jnp
from jax import lax
from jax.experimental import pallas as pl
from jax.experimental.pallas import tpu as pltpu
from jax.experimental.pallas import tpu_sc as plsc


BT = 256

_SC_CORES = 2
_SC_SUBCORES = 16
_NW = _SC_CORES * _SC_SUBCORES


def _sc_permute_rows(table, src_idx, dst_idx, n_rows_out, row_chunk, nbuf=4):
    D = table.shape[1]
    n_idx = src_idx.shape[0]
    rows_per_w = n_idx // _NW
    nch = rows_per_w // row_chunk
    assert n_idx % (_NW * row_chunk) == 0 and nch % nbuf == 0
    assert row_chunk % 8 == 0
    src3 = src_idx.reshape(_NW, nch, row_chunk)
    dst3 = dst_idx.reshape(_NW, nch, row_chunk)
    mesh = plsc.VectorSubcoreMesh(core_axis_name="c", subcore_axis_name="s")

    @functools.partial(
        pl.kernel,
        mesh=mesh,
        out_type=jax.ShapeDtypeStruct((n_rows_out, D), table.dtype),
        scratch_types=[
            pltpu.VMEM((nch, row_chunk), jnp.int32),
            pltpu.VMEM((nch, row_chunk), jnp.int32),
        ]
        + [pltpu.VMEM((row_chunk, D), table.dtype) for _ in range(nbuf)]
        + [pltpu.SemaphoreType.DMA for _ in range(2 * nbuf)],
    )
    def permute_kernel(tab_hbm, src_hbm, dst_hbm, out_hbm, sidx_v, didx_v, *scratch):
        bufs = scratch[:nbuf]
        gsems = scratch[nbuf : 2 * nbuf]
        wsems = scratch[2 * nbuf :]
        wid = lax.axis_index("s") * _SC_CORES + lax.axis_index("c")
        pltpu.sync_copy(src_hbm.at[wid], sidx_v)
        pltpu.sync_copy(dst_hbm.at[wid], didx_v)

        def start_gather(chunk, j):
            pltpu.async_copy(tab_hbm.at[sidx_v.at[chunk]], bufs[j], gsems[j])

        def wait_gather(chunk, j):
            pltpu.make_async_copy(
                tab_hbm.at[sidx_v.at[chunk]], bufs[j], gsems[j]
            ).wait()

        def start_scatter(chunk, j):
            pltpu.async_copy(bufs[j], out_hbm.at[didx_v.at[chunk]], wsems[j])

        def wait_scatter(chunk, j):
            pltpu.make_async_copy(
                bufs[j], out_hbm.at[didx_v.at[chunk]], wsems[j]
            ).wait()

        for j in range(nbuf):
            start_gather(j, j)

        @pl.loop(0, nch, step=nbuf)
        def _(i):
            for j in range(nbuf):
                c = i + j
                wait_gather(c, j)
                start_scatter(c, j)

                @pl.when(c + nbuf < nch)
                def _(c=c, j=j):
                    wait_scatter(c, j)
                    start_gather(c + nbuf, j)

            @pl.when(i + nbuf >= nch)
            def _(i=i):
                for j in range(nbuf):
                    wait_scatter(i + j, j)

    return permute_kernel(table, src3, dst3)


def _routing_metadata(top_k_index, n_exp, n_tok, k):
    S = n_tok * k
    NB = S // BT + n_exp
    NPAD = NB * BT

    e_flat = top_k_index.reshape(-1).astype(jnp.int32)
    eye = jnp.arange(n_exp, dtype=jnp.int32)
    onehot = (e_flat[:, None] == eye[None, :]).astype(jnp.int32)
    csum = jnp.cumsum(onehot, axis=0)
    counts = csum[-1]
    rank = jnp.sum((csum - 1) * onehot, axis=1)
    nb_e = (counts + BT - 1) // BT
    cum_nb = jnp.cumsum(nb_e)
    blk_start = cum_nb - nb_e
    dest = jnp.sum(onehot * blk_start[None, :], axis=1) * BT + rank
    block_expert = jnp.sum(
        (cum_nb[None, :] <= jnp.arange(NB, dtype=jnp.int32)[:, None]).astype(
            jnp.int32
        ),
        axis=1,
    )
    block_expert = jnp.minimum(block_expert, n_exp - 1)
    be_all = jnp.concatenate([block_expert, cum_nb[-1:]])
    return dest.astype(jnp.int32), be_all.astype(jnp.int32), NB, NPAD


def _swiglu_body(I, NB, be_ref, x_ref, w_ref, act_ref):
    @pl.when(pl.program_id(0) < be_ref[NB])
    def _():
        x = x_ref[...].astype(jnp.bfloat16)
        w = w_ref[0].astype(jnp.bfloat16)
        gu = jax.lax.dot_general(
            x, w, (((1,), (1,)), ((), ())), preferred_element_type=jnp.float32
        )
        g = gu[:, :I]
        u = gu[:, I:]
        act_ref[...] = (g * jax.nn.sigmoid(g)) * u


def _down_body(NB, be_ref, act_ref, w_ref, y_ref):
    @pl.when(pl.program_id(0) < be_ref[NB])
    def _():
        a = act_ref[...].astype(jnp.bfloat16)
        w = w_ref[0].astype(jnp.bfloat16)
        y_ref[...] = jax.lax.dot_general(
            a, w, (((1,), (1,)), ((), ())), preferred_element_type=jnp.float32
        )


def kernel(hidden_states, top_k_index, top_k_weights, gate_up_proj, down_proj):
    n_tok, H = hidden_states.shape
    n_exp, twoI, _ = gate_up_proj.shape
    I = twoI // 2
    k = top_k_index.shape[1]
    S = n_tok * k

    dest, block_expert, NB, NPAD = _routing_metadata(top_k_index, n_exp, n_tok, k)

    t_flat = (jnp.arange(S, dtype=jnp.int32) // k)
    x_sorted = _sc_permute_rows(hidden_states, t_flat, dest, NPAD, 8)

    cparams = pltpu.CompilerParams(
        dimension_semantics=("arbitrary",),
        vmem_limit_bytes=100 * 1024 * 1024,
    )

    def row_map(b, be):
        return (jnp.minimum(b, be[NB] - 1), 0)

    act = pl.pallas_call(
        functools.partial(_swiglu_body, I, NB),
        grid_spec=pltpu.PrefetchScalarGridSpec(
            num_scalar_prefetch=1,
            grid=(NB,),
            in_specs=[
                pl.BlockSpec((BT, H), row_map),
                pl.BlockSpec((1, twoI, H), lambda b, be: (be[b], 0, 0)),
            ],
            out_specs=pl.BlockSpec((BT, I), lambda b, be: (b, 0)),
        ),
        out_shape=jax.ShapeDtypeStruct((NPAD, I), jnp.float32),
        compiler_params=cparams,
    )(block_expert, x_sorted, gate_up_proj)

    y = pl.pallas_call(
        functools.partial(_down_body, NB),
        grid_spec=pltpu.PrefetchScalarGridSpec(
            num_scalar_prefetch=1,
            grid=(NB,),
            in_specs=[
                pl.BlockSpec((BT, I), row_map),
                pl.BlockSpec((1, H, I), lambda b, be: (be[b], 0, 0)),
            ],
            out_specs=pl.BlockSpec((BT, H), lambda b, be: (b, 0)),
        ),
        out_shape=jax.ShapeDtypeStruct((NPAD, H), jnp.float32),
        compiler_params=cparams,
    )(block_expert, act, down_proj)

    dest2 = dest.reshape(n_tok, k)
    out = top_k_weights[:, 0:1] * jnp.take(y, dest2[:, 0], axis=0)
    out = out + top_k_weights[:, 1:2] * jnp.take(y, dest2[:, 1], axis=0)
    return out

# --- scband reference (transcript-rebuilt; emitter-appended) ---
"""Pipeline reference for scband-moe-experts-27041114095774 (READ-ONLY COPY).

The authoritative reference and input builder live on the scoring server;
editing this copy changes nothing except your own understanding.
"""

import jax, jax.numpy as jnp
import numpy as np

E = 8
TOPK = 2
T = 4096
H = 2048
I = 1408


def setup_inputs(seed: int = 0) -> dict:
    key = jax.random.key(seed)
    k1, k2, k3, k4, k5 = jax.random.split(key, 5)
    hidden_states = jax.random.normal(k1, (T, H), dtype=jnp.float32)
    top_k_index = jax.random.randint(k2, (T, TOPK), 0, E)
    top_k_weights = jax.random.uniform(k3, (T, TOPK), dtype=jnp.float32)
    gate_up_proj = jax.random.normal(k4, (E, 2 * I, H), dtype=jnp.float32) * 0.02
    down_proj = jax.random.normal(k5, (E, H, I), dtype=jnp.float32) * 0.02
    return {
        "hidden_states": hidden_states,
        "top_k_index": top_k_index,
        "top_k_weights": top_k_weights,
        "gate_up_proj": gate_up_proj,
        "down_proj": down_proj,
    }


def reference(hidden_states, top_k_index, top_k_weights, gate_up_proj, down_proj):
    # Grouped-GEMM MoE expert forward: each expert runs a dense GEMM over all
    # tokens, and per-(token, slot) contributions are combined with routing
    # weights (zeroed for slots not routed to the expert) via scatter-add.
    n_tok, h = hidden_states.shape
    n_exp = gate_up_proj.shape[0]
    k = top_k_index.shape[1]

    e_flat = top_k_index.reshape(-1)
    t_flat = jnp.repeat(jnp.arange(n_tok), k)
    w_flat = top_k_weights.reshape(-1)

    out = jnp.zeros((n_tok, h), dtype=hidden_states.dtype)
    for e in range(n_exp):
        gu = hidden_states @ gate_up_proj[e].T       # [n_tok, 2*I]
        gate, up = jnp.split(gu, 2, axis=-1)
        act = jax.nn.silu(gate) * up                 # SwiGLU
        ye = act @ down_proj[e].T                    # [n_tok, H]
        we = jnp.where(e_flat == e, w_flat, jnp.zeros_like(w_flat))
        out = out.at[t_flat].add(ye[t_flat] * we[:, None])
    return out

if __name__ == "__main__":
    import jax
    _d = setup_inputs()
    print(jax.jit(kernel)(*tuple(_d.values())))

</pallas_src>

<mosaic_0001>
#map = affine_map<(d0, d1) -> (0, 0)>
#map1 = affine_map<(d0, d1) -> (0, 0, 0)>
module attributes {stable_mosaic.version = 14 : i64} {
  func.func @permute_kernel(%arg0: i32, %arg1: i32, %arg2: memref<4096x2048xf32, #tpu.memory_space<hbm>>, %arg3: memref<32x32x8xi32, #tpu.memory_space<hbm>>, %arg4: memref<32x32x8xi32, #tpu.memory_space<hbm>>, %arg5: memref<10240x2048xf32, #tpu.memory_space<hbm>>, %arg6: memref<32x8xi32, #tpu.memory_space<vmem>>, %arg7: memref<32x8xi32, #tpu.memory_space<vmem>>, %arg8: memref<8x2048xf32, #tpu.memory_space<vmem>>, %arg9: memref<8x2048xf32, #tpu.memory_space<vmem>>, %arg10: memref<8x2048xf32, #tpu.memory_space<vmem>>, %arg11: memref<8x2048xf32, #tpu.memory_space<vmem>>, %arg12: memref<!tpu.dma_semaphore, #tpu.memory_space<semaphore_mem>>, %arg13: memref<!tpu.dma_semaphore, #tpu.memory_space<semaphore_mem>>, %arg14: memref<!tpu.dma_semaphore, #tpu.memory_space<semaphore_mem>>, %arg15: memref<!tpu.dma_semaphore, #tpu.memory_space<semaphore_mem>>, %arg16: memref<!tpu.dma_semaphore, #tpu.memory_space<semaphore_mem>>, %arg17: memref<!tpu.dma_semaphore, #tpu.memory_space<semaphore_mem>>, %arg18: memref<!tpu.dma_semaphore, #tpu.memory_space<semaphore_mem>>, %arg19: memref<!tpu.dma_semaphore, #tpu.memory_space<semaphore_mem>>) attributes {dimension_semantics = [#tpu.dimension_semantics<core_parallel>, #tpu.dimension_semantics<subcore_parallel>], iteration_bounds = array<i64: 2, 16>, scalar_prefetch = 0 : i64, scratch_operands = 14 : i64, tpu.core_type = #tpu.core_type<sc_vector_subcore>, window_params = [{transform_indices = #map}, {transform_indices = #map1}, {transform_indices = #map1}, {transform_indices = #map}]} {
    %mul3A = arith.constant 2 : i32
    %mul3A_0 = arith.muli %arg1, %mul3A : i32
    %add3A = arith.addi %mul3A_0, %arg0 : i32
    "tpu.region"() ({
      %run_scoped3A = tpu.sem_alloc : memref<!tpu.dma_semaphore, #tpu.memory_space<semaphore_mem>>
      %dma_start3A_32 = arith.constant 0 : i32
      %dma_start3A_33 = arith.constant 0 : i32
      %dma_start3A_34 = tpu.memref_slice %arg3[%add3A, %dma_start3A_32, %dma_start3A_33] : memref<32x32x8xi32, #tpu.memory_space<hbm>> -> memref<1x32x8xi32, #tpu.memory_space<hbm>>
      %dma_start3A_35 = tpu.memref_squeeze %dma_start3A_34 : memref<1x32x8xi32, #tpu.memory_space<hbm>> -> memref<32x8xi32, #tpu.memory_space<hbm>>
      %dma_start3A_36 = arith.constant 0 : i32
      %dma_start3A_37 = arith.constant 0 : i32
      %dma_start3A_38 = tpu.memref_slice %arg3[%add3A, %dma_start3A_36, %dma_start3A_37] : memref<32x32x8xi32, #tpu.memory_space<hbm>> -> memref<1x32x8xi32, #tpu.memory_space<hbm>>
      %dma_start3A_39 = tpu.memref_squeeze %dma_start3A_38 : memref<1x32x8xi32, #tpu.memory_space<hbm>> -> memref<32x8xi32, #tpu.memory_space<hbm>>
      tpu.enqueue_dma source(%dma_start3A_39 : memref<32x8xi32, #tpu.memory_space<hbm>>) target(%arg6 : memref<32x8xi32, #tpu.memory_space<vmem>>) target_semaphore(%run_scoped3A : memref<!tpu.dma_semaphore, #tpu.memory_space<semaphore_mem>>)
      %dma_wait3A = arith.constant 0 : i32
      %dma_wait3A_40 = arith.constant 0 : i32
      %dma_wait3A_41 = tpu.memref_slice %arg3[%add3A, %dma_wait3A, %dma_wait3A_40] : memref<32x32x8xi32, #tpu.memory_space<hbm>> -> memref<1x32x8xi32, #tpu.memory_space<hbm>>
      %dma_wait3A_42 = tpu.memref_squeeze %dma_wait3A_41 : memref<1x32x8xi32, #tpu.memory_space<hbm>> -> memref<32x8xi32, #tpu.memory_space<hbm>>
      %dma_wait3A_43 = arith.constant 0 : i32
      %dma_wait3A_44 = arith.constant 0 : i32
      %dma_wait3A_45 = tpu.memref_slice %arg3[%add3A, %dma_wait3A_43, %dma_wait3A_44] : memref<32x32x8xi32, #tpu.memory_space<hbm>> -> memref<1x32x8xi32, #tpu.memory_space<hbm>>
      %dma_wait3A_46 = tpu.memref_squeeze %dma_wait3A_45 : memref<1x32x8xi32, #tpu.memory_space<hbm>> -> memref<32x8xi32, #tpu.memory_space<hbm>>
      tpu.wait_dma2 semaphore(%run_scoped3A : memref<!tpu.dma_semaphore, #tpu.memory_space<semaphore_mem>>) src(%dma_wait3A_46 : memref<32x8xi32, #tpu.memory_space<hbm>>) dst(%arg6 : memref<32x8xi32, #tpu.memory_space<vmem>>)
      tpu.yield
    }) : () -> ()
    "tpu.region"() ({
      %run_scoped3A = tpu.sem_alloc : memref<!tpu.dma_semaphore, #tpu.memory_space<semaphore_mem>>
      %dma_start3A_32 = arith.constant 0 : i32
      %dma_start3A_33 = arith.constant 0 : i32
      %dma_start3A_34 = tpu.memref_slice %arg4[%add3A, %dma_start3A_32, %dma_start3A_33] : memref<32x32x8xi32, #tpu.memory_space<hbm>> -> memref<1x32x8xi32, #tpu.memory_space<hbm>>
      %dma_start3A_35 = tpu.memref_squeeze %dma_start3A_34 : memref<1x32x8xi32, #tpu.memory_space<hbm>> -> memref<32x8xi32, #tpu.memory_space<hbm>>
      %dma_start3A_36 = arith.constant 0 : i32
      %dma_start3A_37 = arith.constant 0 : i32
      %dma_start3A_38 = tpu.memref_slice %arg4[%add3A, %dma_start3A_36, %dma_start3A_37] : memref<32x32x8xi32, #tpu.memory_space<hbm>> -> memref<1x32x8xi32, #tpu.memory_space<hbm>>
      %dma_start3A_39 = tpu.memref_squeeze %dma_start3A_38 : memref<1x32x8xi32, #tpu.memory_space<hbm>> -> memref<32x8xi32, #tpu.memory_space<hbm>>
      tpu.enqueue_dma source(%dma_start3A_39 : memref<32x8xi32, #tpu.memory_space<hbm>>) target(%arg7 : memref<32x8xi32, #tpu.memory_space<vmem>>) target_semaphore(%run_scoped3A : memref<!tpu.dma_semaphore, #tpu.memory_space<semaphore_mem>>)
      %dma_wait3A = arith.constant 0 : i32
      %dma_wait3A_40 = arith.constant 0 : i32
      %dma_wait3A_41 = tpu.memref_slice %arg4[%add3A, %dma_wait3A, %dma_wait3A_40] : memref<32x32x8xi32, #tpu.memory_space<hbm>> -> memref<1x32x8xi32, #tpu.memory_space<hbm>>
      %dma_wait3A_42 = tpu.memref_squeeze %dma_wait3A_41 : memref<1x32x8xi32, #tpu.memory_space<hbm>> -> memref<32x8xi32, #tpu.memory_space<hbm>>
      %dma_wait3A_43 = arith.constant 0 : i32
      %dma_wait3A_44 = arith.constant 0 : i32
      %dma_wait3A_45 = tpu.memref_slice %arg4[%add3A, %dma_wait3A_43, %dma_wait3A_44] : memref<32x32x8xi32, #tpu.memory_space<hbm>> -> memref<1x32x8xi32, #tpu.memory_space<hbm>>
      %dma_wait3A_46 = tpu.memref_squeeze %dma_wait3A_45 : memref<1x32x8xi32, #tpu.memory_space<hbm>> -> memref<32x8xi32, #tpu.memory_space<hbm>>
      tpu.wait_dma2 semaphore(%run_scoped3A : memref<!tpu.dma_semaphore, #tpu.memory_space<semaphore_mem>>) src(%dma_wait3A_46 : memref<32x8xi32, #tpu.memory_space<hbm>>) dst(%arg7 : memref<32x8xi32, #tpu.memory_space<vmem>>)
      tpu.yield
    }) : () -> ()
    %dma_start3A = arith.constant 0 : i32
    %dma_start3A_1 = arith.constant 0 : i32
    %dma_start3A_2 = tpu.memref_slice %arg6[%dma_start3A, %dma_start3A_1] : memref<32x8xi32, #tpu.memory_space<vmem>> -> memref<1x8xi32, #tpu.memory_space<vmem>>
    %dma_start3A_3 = tpu.memref_squeeze %dma_start3A_2 : memref<1x8xi32, #tpu.memory_space<vmem>> -> memref<8xi32, #tpu.memory_space<vmem>>
    %dma_start3A_4 = arith.constant 0 : i32
    %dma_start3A_5 = arith.constant 0 : i32
    %dma_start3A_6 = tpu.memref_slice %arg2[%dma_start3A_4, %dma_start3A_5] : memref<4096x2048xf32, #tpu.memory_space<hbm>> -> memref<4096x2048xf32, #tpu.memory_space<hbm>>
    tpu.enqueue_indirect_dma source(%dma_start3A_6 : memref<4096x2048xf32, #tpu.memory_space<hbm>>) target(%arg8 : memref<8x2048xf32, #tpu.memory_space<vmem>>) offsets(%dma_start3A_3 : memref<8xi32, #tpu.memory_space<vmem>>) semaphore(%arg12 : memref<!tpu.dma_semaphore, #tpu.memory_space<semaphore_mem>>)
    %dma_start3A_7 = arith.constant 1 : i32
    %dma_start3A_8 = arith.constant 0 : i32
    %dma_start3A_9 = tpu.memref_slice %arg6[%dma_start3A_7, %dma_start3A_8] : memref<32x8xi32, #tpu.memory_space<vmem>> -> memref<1x8xi32, #tpu.memory_space<vmem>>
    %dma_start3A_10 = tpu.memref_squeeze %dma_start3A_9 : memref<1x8xi32, #tpu.memory_space<vmem>> -> memref<8xi32, #tpu.memory_space<vmem>>
    %dma_start3A_11 = arith.constant 0 : i32
    %dma_start3A_12 = arith.constant 0 : i32
    %dma_start3A_13 = tpu.memref_slice %arg2[%dma_start3A_11, %dma_start3A_12] : memref<4096x2048xf32, #tpu.memory_space<hbm>> -> memref<4096x2048xf32, #tpu.memory_space<hbm>>
    tpu.enqueue_indirect_dma source(%dma_start3A_13 : memref<4096x2048xf32, #tpu.memory_space<hbm>>) target(%arg9 : memref<8x2048xf32, #tpu.memory_space<vmem>>) offsets(%dma_start3A_10 : memref<8xi32, #tpu.memory_space<vmem>>) semaphore(%arg13 : memref<!tpu.dma_semaphore, #tpu.memory_space<semaphore_mem>>)
    %dma_start3A_14 = arith.constant 2 : i32
    %dma_start3A_15 = arith.constant 0 : i32
    %dma_start3A_16 = tpu.memref_slice %arg6[%dma_start3A_14, %dma_start3A_15] : memref<32x8xi32, #tpu.memory_space<vmem>> -> memref<1x8xi32, #tpu.memory_space<vmem>>
    %dma_start3A_17 = tpu.memref_squeeze %dma_start3A_16 : memref<1x8xi32, #tpu.memory_space<vmem>> -> memref<8xi32, #tpu.memory_space<vmem>>
    %dma_start3A_18 = arith.constant 0 : i32
    %dma_start3A_19 = arith.constant 0 : i32
    %dma_start3A_20 = tpu.memref_slice %arg2[%dma_start3A_18, %dma_start3A_19] : memref<4096x2048xf32, #tpu.memory_space<hbm>> -> memref<4096x2048xf32, #tpu.memory_space<hbm>>
    tpu.enqueue_indirect_dma source(%dma_start3A_20 : memref<4096x2048xf32, #tpu.memory_space<hbm>>) target(%arg10 : memref<8x2048xf32, #tpu.memory_space<vmem>>) offsets(%dma_start3A_17 : memref<8xi32, #tpu.memory_space<vmem>>) semaphore(%arg14 : memref<!tpu.dma_semaphore, #tpu.memory_space<semaphore_mem>>)
    %dma_start3A_21 = arith.constant 3 : i32
    %dma_start3A_22 = arith.constant 0 : i32
    %dma_start3A_23 = tpu.memref_slice %arg6[%dma_start3A_21, %dma_start3A_22] : memref<32x8xi32, #tpu.memory_space<vmem>> -> memref<1x8xi32, #tpu.memory_space<vmem>>
    %dma_start3A_24 = tpu.memref_squeeze %dma_start3A_23 : memref<1x8xi32, #tpu.memory_space<vmem>> -> memref<8xi32, #tpu.memory_space<vmem>>
    %dma_start3A_25 = arith.constant 0 : i32
    %dma_start3A_26 = arith.constant 0 : i32
    %dma_start3A_27 = tpu.memref_slice %arg2[%dma_start3A_25, %dma_start3A_26] : memref<4096x2048xf32, #tpu.memory_space<hbm>> -> memref<4096x2048xf32, #tpu.memory_space<hbm>>
    tpu.enqueue_indirect_dma source(%dma_start3A_27 : memref<4096x2048xf32, #tpu.memory_space<hbm>>) target(%arg11 : memref<8x2048xf32, #tpu.memory_space<vmem>>) offsets(%dma_start3A_24 : memref<8xi32, #tpu.memory_space<vmem>>) semaphore(%arg15 : memref<!tpu.dma_semaphore, #tpu.memory_space<semaphore_mem>>)
    %scan3A = arith.constant 0 : i32
    %scan3A_28 = arith.constant 8 : i32
    %scan3A_29 = arith.addi %scan3A, %scan3A_28 : i32
    %scan3A_30 = arith.constant 1 : i32
    scf.for %scan3A_32 = %scan3A to %scan3A_29 step %scan3A_30  : i32 {
      %mul3A_33 = arith.constant 4 : i32
      %mul3A_34 = arith.muli %scan3A_32, %mul3A_33 : i32
      %add3A_35 = arith.constant 0 : i32
      %add3A_36 = arith.addi %add3A_35, %mul3A_34 : i32
      %add3A_37 = arith.constant 0 : i32
      %add3A_38 = arith.addi %add3A_36, %add3A_37 : i32
      %dma_wait3A = arith.constant 0 : i32
      %dma_wait3A_39 = tpu.memref_slice %arg6[%add3A_38, %dma_wait3A] : memref<32x8xi32, #tpu.memory_space<vmem>> -> memref<1x8xi32, #tpu.memory_space<vmem>>
      %dma_wait3A_40 = tpu.memref_squeeze %dma_wait3A_39 : memref<1x8xi32, #tpu.memory_space<vmem>> -> memref<8xi32, #tpu.memory_space<vmem>>
      %dma_wait3A_41 = arith.constant 0 : i32
      %dma_wait3A_42 = arith.constant 0 : i32
      %dma_wait3A_43 = tpu.memref_slice %arg2[%dma_wait3A_41, %dma_wait3A_42] : memref<4096x2048xf32, #tpu.memory_space<hbm>> -> memref<4096x2048xf32, #tpu.memory_space<hbm>>
      tpu.wait_indirect_dma semaphore(%arg12 : memref<!tpu.dma_semaphore, #tpu.memory_space<semaphore_mem>>) src(%dma_wait3A_43 : memref<4096x2048xf32, #tpu.memory_space<hbm>>) dst(%arg8 : memref<8x2048xf32, #tpu.memory_space<vmem>>)
      %dma_start3A_44 = arith.constant 0 : i32
      %dma_start3A_45 = tpu.memref_slice %arg7[%add3A_38, %dma_start3A_44] : memref<32x8xi32, #tpu.memory_space<vmem>> -> memref<1x8xi32, #tpu.memory_space<vmem>>
      %dma_start3A_46 = tpu.memref_squeeze %dma_start3A_45 : memref<1x8xi32, #tpu.memory_space<vmem>> -> memref<8xi32, #tpu.memory_space<vmem>>
      %dma_start3A_47 = arith.constant 0 : i32
      %dma_start3A_48 = arith.constant 0 : i32
      %dma_start3A_49 = tpu.memref_slice %arg5[%dma_start3A_47, %dma_start3A_48] : memref<10240x2048xf32, #tpu.memory_space<hbm>> -> memref<10240x2048xf32, #tpu.memory_space<hbm>>
      tpu.enqueue_indirect_dma source(%arg8 : memref<8x2048xf32, #tpu.memory_space<vmem>>) target(%dma_start3A_49 : memref<10240x2048xf32, #tpu.memory_space<hbm>>) offsets(%dma_start3A_46 : memref<8xi32, #tpu.memory_space<vmem>>) semaphore(%arg16 : memref<!tpu.dma_semaphore, #tpu.memory_space<semaphore_mem>>)
      %add3A_50 = arith.constant 4 : i32
      %add3A_51 = arith.addi %add3A_38, %add3A_50 : i32
      %lt3A = arith.constant 32 : i32
      %lt3A_52 = arith.cmpi slt, %add3A_51, %lt3A : i32
      %convert_element_type3A = arith.extui %lt3A_52 : i1 to i32
      %cond3A = arith.constant 0 : i32
      %cond3A_53 = arith.cmpi ne, %convert_element_type3A, %cond3A : i32
      scf.if %cond3A_53 {
        %dma_wait3A_123 = arith.constant 0 : i32
        %dma_wait3A_124 = tpu.memref_slice %arg7[%add3A_38, %dma_wait3A_123] : memref<32x8xi32, #tpu.memory_space<vmem>> -> memref<1x8xi32, #tpu.memory_space<vmem>>
        %dma_wait3A_125 = tpu.memref_squeeze %dma_wait3A_124 : memref<1x8xi32, #tpu.memory_space<vmem>> -> memref<8xi32, #tpu.memory_space<vmem>>
        %dma_wait3A_126 = arith.constant 0 : i32
        %dma_wait3A_127 = arith.constant 0 : i32
        %dma_wait3A_128 = tpu.memref_slice %arg5[%dma_wait3A_126, %dma_wait3A_127] : memref<10240x2048xf32, #tpu.memory_space<hbm>> -> memref<10240x2048xf32, #tpu.memory_space<hbm>>
        tpu.wait_indirect_dma semaphore(%arg16 : memref<!tpu.dma_semaphore, #tpu.memory_space<semaphore_mem>>) src(%arg8 : memref<8x2048xf32, #tpu.memory_space<vmem>>) dst(%dma_wait3A_128 : memref<10240x2048xf32, #tpu.memory_space<hbm>>)
        %add3A_129 = arith.constant 4 : i32
        %add3A_130 = arith.addi %add3A_38, %add3A_129 : i32
        %dma_start3A_131 = arith.constant 0 : i32
        %dma_start3A_132 = tpu.memref_slice %arg6[%add3A_130, %dma_start3A_131] : memref<32x8xi32, #tpu.memory_space<vmem>> -> memref<1x8xi32, #tpu.memory_space<vmem>>
        %dma_start3A_133 = tpu.memref_squeeze %dma_start3A_132 : memref<1x8xi32, #tpu.memory_space<vmem>> -> memref<8xi32, #tpu.memory_space<vmem>>
        %dma_start3A_134 = arith.constant 0 : i32
        %dma_start3A_135 = arith.constant 0 : i32
        %dma_start3A_136 = tpu.memref_slice %arg2[%dma_start3A_134, %dma_start3A_135] : memref<4096x2048xf32, #tpu.memory_space<hbm>> -> memref<4096x2048xf32, #tpu.memory_space<hbm>>
        tpu.enqueue_indirect_dma source(%dma_start3A_136 : memref<4096x2048xf32, #tpu.memory_space<hbm>>) target(%arg8 : memref<8x2048xf32, #tpu.memory_space<vmem>>) offsets(%dma_start3A_133 : memref<8xi32, #tpu.memory_space<vmem>>) semaphore(%arg12 : memref<!tpu.dma_semaphore, #tpu.memory_space<semaphore_mem>>)
      } else {
      }
      %add3A_54 = arith.constant 1 : i32
      %add3A_55 = arith.addi %add3A_36, %add3A_54 : i32
      %dma_wait3A_56 = arith.constant 0 : i32
      %dma_wait3A_57 = tpu.memref_slice %arg6[%add3A_55, %dma_wait3A_56] : memref<32x8xi32, #tpu.memory_space<vmem>> -> memref<1x8xi32, #tpu.memory_space<vmem>>
      %dma_wait3A_58 = tpu.memref_squeeze %dma_wait3A_57 : memref<1x8xi32, #tpu.memory_space<vmem>> -> memref<8xi32, #tpu.memory_space<vmem>>
      %dma_wait3A_59 = arith.constant 0 : i32
      %dma_wait3A_60 = arith.constant 0 : i32
      %dma_wait3A_61 = tpu.memref_slice %arg2[%dma_wait3A_59, %dma_wait3A_60] : memref<4096x2048xf32, #tpu.memory_space<hbm>> -> memref<4096x2048xf32, #tpu.memory_space<hbm>>
      tpu.wait_indirect_dma semaphore(%arg13 : memref<!tpu.dma_semaphore, #tpu.memory_space<semaphore_mem>>) src(%dma_wait3A_61 : memref<4096x2048xf32, #tpu.memory_space<hbm>>) dst(%arg9 : memref<8x2048xf32, #tpu.memory_space<vmem>>)
      %dma_start3A_62 = arith.constant 0 : i32
      %dma_start3A_63 = tpu.memref_slice %arg7[%add3A_55, %dma_start3A_62] : memref<32x8xi32, #tpu.memory_space<vmem>> -> memref<1x8xi32, #tpu.memory_space<vmem>>
      %dma_start3A_64 = tpu.memref_squeeze %dma_start3A_63 : memref<1x8xi32, #tpu.memory_space<vmem>> -> memref<8xi32, #tpu.memory_space<vmem>>
      %dma_start3A_65 = arith.constant 0 : i32
      %dma_start3A_66 = arith.constant 0 : i32
      %dma_start3A_67 = tpu.memref_slice %arg5[%dma_start3A_65, %dma_start3A_66] : memref<10240x2048xf32, #tpu.memory_space<hbm>> -> memref<10240x2048xf32, #tpu.memory_space<hbm>>
      tpu.enqueue_indirect_dma source(%arg9 : memref<8x2048xf32, #tpu.memory_space<vmem>>) target(%dma_start3A_67 : memref<10240x2048xf32, #tpu.memory_space<hbm>>) offsets(%dma_start3A_64 : memref<8xi32, #tpu.memory_space<vmem>>) semaphore(%arg17 : memref<!tpu.dma_semaphore, #tpu.memory_space<semaphore_mem>>)
      %add3A_68 = arith.constant 4 : i32
      %add3A_69 = arith.addi %add3A_55, %add3A_68 : i32
      %lt3A_70 = arith.constant 32 : i32
      %lt3A_71 = arith.cmpi slt, %add3A_69, %lt3A_70 : i32
      %convert_element_type3A_72 = arith.extui %lt3A_71 : i1 to i32
      %cond3A_73 = arith.constant 0 : i32
      %cond3A_74 = arith.cmpi ne, %convert_element_type3A_72, %cond3A_73 : i32
      scf.if %cond3A_74 {
        %dma_wait3A_123 = arith.constant 0 : i32
        %dma_wait3A_124 = tpu.memref_slice %arg7[%add3A_55, %dma_wait3A_123] : memref<32x8xi32, #tpu.memory_space<vmem>> -> memref<1x8xi32, #tpu.memory_space<vmem>>
        %dma_wait3A_125 = tpu.memref_squeeze %dma_wait3A_124 : memref<1x8xi32, #tpu.memory_space<vmem>> -> memref<8xi32, #tpu.memory_space<vmem>>
        %dma_wait3A_126 = arith.constant 0 : i32
        %dma_wait3A_127 = arith.constant 0 : i32
        %dma_wait3A_128 = tpu.memref_slice %arg5[%dma_wait3A_126, %dma_wait3A_127] : memref<10240x2048xf32, #tpu.memory_space<hbm>> -> memref<10240x2048xf32, #tpu.memory_space<hbm>>
        tpu.wait_indirect_dma semaphore(%arg17 : memref<!tpu.dma_semaphore, #tpu.memory_space<semaphore_mem>>) src(%arg9 : memref<8x2048xf32, #tpu.memory_space<vmem>>) dst(%dma_wait3A_128 : memref<10240x2048xf32, #tpu.memory_space<hbm>>)
        %add3A_129 = arith.constant 4 : i32
        %add3A_130 = arith.addi %add3A_55, %add3A_129 : i32
        %dma_start3A_131 = arith.constant 0 : i32
        %dma_start3A_132 = tpu.memref_slice %arg6[%add3A_130, %dma_start3A_131] : memref<32x8xi32, #tpu.memory_space<vmem>> -> memref<1x8xi32, #tpu.memory_space<vmem>>
        %dma_start3A_133 = tpu.memref_squeeze %dma_start3A_132 : memref<1x8xi32, #tpu.memory_space<vmem>> -> memref<8xi32, #tpu.memory_space<vmem>>
        %dma_start3A_134 = arith.constant 0 : i32
        %dma_start3A_135 = arith.constant 0 : i32
        %dma_start3A_136 = tpu.memref_slice %arg2[%dma_start3A_134, %dma_start3A_135] : memref<4096x2048xf32, #tpu.memory_space<hbm>> -> memref<4096x2048xf32, #tpu.memory_space<hbm>>
        tpu.enqueue_indirect_dma source(%dma_start3A_136 : memref<4096x2048xf32, #tpu.memory_space<hbm>>) target(%arg9 : memref<8x2048xf32, #tpu.memory_space<vmem>>) offsets(%dma_start3A_133 : memref<8xi32, #tpu.memory_space<vmem>>) semaphore(%arg13 : memref<!tpu.dma_semaphore, #tpu.memory_space<semaphore_mem>>)
      } else {
      }
      %add3A_75 = arith.constant 2 : i32
      %add3A_76 = arith.addi %add3A_36, %add3A_75 : i32
      %dma_wait3A_77 = arith.constant 0 : i32
      %dma_wait3A_78 = tpu.memref_slice %arg6[%add3A_76, %dma_wait3A_77] : memref<32x8xi32, #tpu.memory_space<vmem>> -> memref<1x8xi32, #tpu.memory_space<vmem>>
      %dma_wait3A_79 = tpu.memref_squeeze %dma_wait3A_78 : memref<1x8xi32, #tpu.memory_space<vmem>> -> memref<8xi32, #tpu.memory_space<vmem>>
      %dma_wait3A_80 = arith.constant 0 : i32
      %dma_wait3A_81 = arith.constant 0 : i32
      %dma_wait3A_82 = tpu.memref_slice %arg2[%dma_wait3A_80, %dma_wait3A_81] : memref<4096x2048xf32, #tpu.memory_space<hbm>> -> memref<4096x2048xf32, #tpu.memory_space<hbm>>
      tpu.wait_indirect_dma semaphore(%arg14 : memref<!tpu.dma_semaphore, #tpu.memory_space<semaphore_mem>>) src(%dma_wait3A_82 : memref<4096x2048xf32, #tpu.memory_space<hbm>>) dst(%arg10 : memref<8x2048xf32, #tpu.memory_space<vmem>>)
      %dma_start3A_83 = arith.constant 0 : i32
      %dma_start3A_84 = tpu.memref_slice %arg7[%add3A_76, %dma_start3A_83] : memref<32x8xi32, #tpu.memory_space<vmem>> -> memref<1x8xi32, #tpu.memory_space<vmem>>
      %dma_start3A_85 = tpu.memref_squeeze %dma_start3A_84 : memref<1x8xi32, #tpu.memory_space<vmem>> -> memref<8xi32, #tpu.memory_space<vmem>>
      %dma_start3A_86 = arith.constant 0 : i32
      %dma_start3A_87 = arith.constant 0 : i32
      %dma_start3A_88 = tpu.memref_slice %arg5[%dma_start3A_86, %dma_start3A_87] : memref<10240x2048xf32, #tpu.memory_space<hbm>> -> memref<10240x2048xf32, #tpu.memory_space<hbm>>
      tpu.enqueue_indirect_dma source(%arg10 : memref<8x2048xf32, #tpu.memory_space<vmem>>) target(%dma_start3A_88 : memref<10240x2048xf32, #tpu.memory_space<hbm>>) offsets(%dma_start3A_85 : memref<8xi32, #tpu.memory_space<vmem>>) semaphore(%arg18 : memref<!tpu.dma_semaphore, #tpu.memory_space<semaphore_mem>>)
      %add3A_89 = arith.constant 4 : i32
      %add3A_90 = arith.addi %add3A_76, %add3A_89 : i32
      %lt3A_91 = arith.constant 32 : i32
      %lt3A_92 = arith.cmpi slt, %add3A_90, %lt3A_91 : i32
      %convert_element_type3A_93 = arith.extui %lt3A_92 : i1 to i32
      %cond3A_94 = arith.constant 0 : i32
      %cond3A_95 = arith.cmpi ne, %convert_element_type3A_93, %cond3A_94 : i32
      scf.if %cond3A_95 {
        %dma_wait3A_123 = arith.constant 0 : i32
        %dma_wait3A_124 = tpu.memref_slice %arg7[%add3A_76, %dma_wait3A_123] : memref<32x8xi32, #tpu.memory_space<vmem>> -> memref<1x8xi32, #tpu.memory_space<vmem>>
        %dma_wait3A_125 = tpu.memref_squeeze %dma_wait3A_124 : memref<1x8xi32, #tpu.memory_space<vmem>> -> memref<8xi32, #tpu.memory_space<vmem>>
        %dma_wait3A_126 = arith.constant 0 : i32
        %dma_wait3A_127 = arith.constant 0 : i32
        %dma_wait3A_128 = tpu.memref_slice %arg5[%dma_wait3A_126, %dma_wait3A_127] : memref<10240x2048xf32, #tpu.memory_space<hbm>> -> memref<10240x2048xf32, #tpu.memory_space<hbm>>
        tpu.wait_indirect_dma semaphore(%arg18 : memref<!tpu.dma_semaphore, #tpu.memory_space<semaphore_mem>>) src(%arg10 : memref<8x2048xf32, #tpu.memory_space<vmem>>) dst(%dma_wait3A_128 : memref<10240x2048xf32, #tpu.memory_space<hbm>>)
        %add3A_129 = arith.constant 4 : i32
        %add3A_130 = arith.addi %add3A_76, %add3A_129 : i32
        %dma_start3A_131 = arith.constant 0 : i32
        %dma_start3A_132 = tpu.memref_slice %arg6[%add3A_130, %dma_start3A_131] : memref<32x8xi32, #tpu.memory_space<vmem>> -> memref<1x8xi32, #tpu.memory_space<vmem>>
        %dma_start3A_133 = tpu.memref_squeeze %dma_start3A_132 : memref<1x8xi32, #tpu.memory_space<vmem>> -> memref<8xi32, #tpu.memory_space<vmem>>
        %dma_start3A_134 = arith.constant 0 : i32
        %dma_start3A_135 = arith.constant 0 : i32
        %dma_start3A_136 = tpu.memref_slice %arg2[%dma_start3A_134, %dma_start3A_135] : memref<4096x2048xf32, #tpu.memory_space<hbm>> -> memref<4096x2048xf32, #tpu.memory_space<hbm>>
        tpu.enqueue_indirect_dma source(%dma_start3A_136 : memref<4096x2048xf32, #tpu.memory_space<hbm>>) target(%arg10 : memref<8x2048xf32, #tpu.memory_space<vmem>>) offsets(%dma_start3A_133 : memref<8xi32, #tpu.memory_space<vmem>>) semaphore(%arg14 : memref<!tpu.dma_semaphore, #tpu.memory_space<semaphore_mem>>)
      } else {
      }
      %add3A_96 = arith.constant 3 : i32
      %add3A_97 = arith.addi %add3A_36, %add3A_96 : i32
      %dma_wait3A_98 = arith.constant 0 : i32
      %dma_wait3A_99 = tpu.memref_slice %arg6[%add3A_97, %dma_wait3A_98] : memref<32x8xi32, #tpu.memory_space<vmem>> -> memref<1x8xi32, #tpu.memory_space<vmem>>
      %dma_wait3A_100 = tpu.memref_squeeze %dma_wait3A_99 : memref<1x8xi32, #tpu.memory_space<vmem>> -> memref<8xi32, #tpu.memory_space<vmem>>
      %dma_wait3A_101 = arith.constant 0 : i32
      %dma_wait3A_102 = arith.constant 0 : i32
      %dma_wait3A_103 = tpu.memref_slice %arg2[%dma_wait3A_101, %dma_wait3A_102] : memref<4096x2048xf32, #tpu.memory_space<hbm>> -> memref<4096x2048xf32, #tpu.memory_space<hbm>>
      tpu.wait_indirect_dma semaphore(%arg15 : memref<!tpu.dma_semaphore, #tpu.memory_space<semaphore_mem>>) src(%dma_wait3A_103 : memref<4096x2048xf32, #tpu.memory_space<hbm>>) dst(%arg11 : memref<8x2048xf32, #tpu.memory_space<vmem>>)
      %dma_start3A_104 = arith.constant 0 : i32
      %dma_start3A_105 = tpu.memref_slice %arg7[%add3A_97, %dma_start3A_104] : memref<32x8xi32, #tpu.memory_space<vmem>> -> memref<1x8xi32, #tpu.memory_space<vmem>>
      %dma_start3A_106 = tpu.memref_squeeze %dma_start3A_105 : memref<1x8xi32, #tpu.memory_space<vmem>> -> memref<8xi32, #tpu.memory_space<vmem>>
      %dma_start3A_107 = arith.constant 0 : i32
      %dma_start3A_108 = arith.constant 0 : i32
      %dma_start3A_109 = tpu.memref_slice %arg5[%dma_start3A_107, %dma_start3A_108] : memref<10240x2048xf32, #tpu.memory_space<hbm>> -> memref<10240x2048xf32, #tpu.memory_space<hbm>>
      tpu.enqueue_indirect_dma source(%arg11 : memref<8x2048xf32, #tpu.memory_space<vmem>>) target(%dma_start3A_109 : memref<10240x2048xf32, #tpu.memory_space<hbm>>) offsets(%dma_start3A_106 : memref<8xi32, #tpu.memory_space<vmem>>) semaphore(%arg19 : memref<!tpu.dma_semaphore, #tpu.memory_space<semaphore_mem>>)
      %add3A_110 = arith.constant 4 : i32
      %add3A_111 = arith.addi %add3A_97, %add3A_110 : i32
      %lt3A_112 = arith.constant 32 : i32
      %lt3A_113 = arith.cmpi slt, %add3A_111, %lt3A_112 : i32
      %convert_element_type3A_114 = arith.extui %lt3A_113 : i1 to i32
      %cond3A_115 = arith.constant 0 : i32
      %cond3A_116 = arith.cmpi ne, %convert_element_type3A_114, %cond3A_115 : i32
      scf.if %cond3A_116 {
        %dma_wait3A_123 = arith.constant 0 : i32
        %dma_wait3A_124 = tpu.memref_slice %arg7[%add3A_97, %dma_wait3A_123] : memref<32x8xi32, #tpu.memory_space<vmem>> -> memref<1x8xi32, #tpu.memory_space<vmem>>
        %dma_wait3A_125 = tpu.memref_squeeze %dma_wait3A_124 : memref<1x8xi32, #tpu.memory_space<vmem>> -> memref<8xi32, #tpu.memory_space<vmem>>
        %dma_wait3A_126 = arith.constant 0 : i32
        %dma_wait3A_127 = arith.constant 0 : i32
        %dma_wait3A_128 = tpu.memref_slice %arg5[%dma_wait3A_126, %dma_wait3A_127] : memref<10240x2048xf32, #tpu.memory_space<hbm>> -> memref<10240x2048xf32, #tpu.memory_space<hbm>>
        tpu.wait_indirect_dma semaphore(%arg19 : memref<!tpu.dma_semaphore, #tpu.memory_space<semaphore_mem>>) src(%arg11 : memref<8x2048xf32, #tpu.memory_space<vmem>>) dst(%dma_wait3A_128 : memref<10240x2048xf32, #tpu.memory_space<hbm>>)
        %add3A_129 = arith.constant 4 : i32
        %add3A_130 = arith.addi %add3A_97, %add3A_129 : i32
        %dma_start3A_131 = arith.constant 0 : i32
        %dma_start3A_132 = tpu.memref_slice %arg6[%add3A_130, %dma_start3A_131] : memref<32x8xi32, #tpu.memory_space<vmem>> -> memref<1x8xi32, #tpu.memory_space<vmem>>
        %dma_start3A_133 = tpu.memref_squeeze %dma_start3A_132 : memref<1x8xi32, #tpu.memory_space<vmem>> -> memref<8xi32, #tpu.memory_space<vmem>>
        %dma_start3A_134 = arith.constant 0 : i32
        %dma_start3A_135 = arith.constant 0 : i32
        %dma_start3A_136 = tpu.memref_slice %arg2[%dma_start3A_134, %dma_start3A_135] : memref<4096x2048xf32, #tpu.memory_space<hbm>> -> memref<4096x2048xf32, #tpu.memory_space<hbm>>
        tpu.enqueue_indirect_dma source(%dma_start3A_136 : memref<4096x2048xf32, #tpu.memory_space<hbm>>) target(%arg11 : memref<8x2048xf32, #tpu.memory_space<vmem>>) offsets(%dma_start3A_133 : memref<8xi32, #tpu.memory_space<vmem>>) semaphore(%arg15 : memref<!tpu.dma_semaphore, #tpu.memory_space<semaphore_mem>>)
      } else {
      }
      %add3A_117 = arith.constant 4 : i32
      %add3A_118 = arith.addi %add3A_36, %add3A_117 : i32
      %ge3A = arith.constant 32 : i32
      %ge3A_119 = arith.cmpi sge, %add3A_118, %ge3A : i32
      %convert_element_type3A_120 = arith.extui %ge3A_119 : i1 to i32
      %cond3A_121 = arith.constant 0 : i32
      %cond3A_122 = arith.cmpi ne, %convert_element_type3A_120, %cond3A_121 : i32
      scf.if %cond3A_122 {
        %add3A_123 = arith.constant 0 : i32
        %add3A_124 = arith.addi %add3A_36, %add3A_123 : i32
        %dma_wait3A_125 = arith.constant 0 : i32
        %dma_wait3A_126 = tpu.memref_slice %arg7[%add3A_124, %dma_wait3A_125] : memref<32x8xi32, #tpu.memory_space<vmem>> -> memref<1x8xi32, #tpu.memory_space<vmem>>
        %dma_wait3A_127 = tpu.memref_squeeze %dma_wait3A_126 : memref<1x8xi32, #tpu.memory_space<vmem>> -> memref<8xi32, #tpu.memory_space<vmem>>
        %dma_wait3A_128 = arith.constant 0 : i32
        %dma_wait3A_129 = arith.constant 0 : i32
        %dma_wait3A_130 = tpu.memref_slice %arg5[%dma_wait3A_128, %dma_wait3A_129] : memref<10240x2048xf32, #tpu.memory_space<hbm>> -> memref<10240x2048xf32, #tpu.memory_space<hbm>>
        tpu.wait_indirect_dma semaphore(%arg16 : memref<!tpu.dma_semaphore, #tpu.memory_space<semaphore_mem>>) src(%arg8 : memref<8x2048xf32, #tpu.memory_space<vmem>>) dst(%dma_wait3A_130 : memref<10240x2048xf32, #tpu.memory_space<hbm>>)
        %add3A_131 = arith.constant 1 : i32
        %add3A_132 = arith.addi %add3A_36, %add3A_131 : i32
        %dma_wait3A_133 = arith.constant 0 : i32
        %dma_wait3A_134 = tpu.memref_slice %arg7[%add3A_132, %dma_wait3A_133] : memref<32x8xi32, #tpu.memory_space<vmem>> -> memref<1x8xi32, #tpu.memory_space<vmem>>
        %dma_wait3A_135 = tpu.memref_squeeze %dma_wait3A_134 : memref<1x8xi32, #tpu.memory_space<vmem>> -> memref<8xi32, #tpu.memory_space<vmem>>
        %dma_wait3A_136 = arith.constant 0 : i32
        %dma_wait3A_137 = arith.constant 0 : i32
        %dma_wait3A_138 = tpu.memref_slice %arg5[%dma_wait3A_136, %dma_wait3A_137] : memref<10240x2048xf32, #tpu.memory_space<hbm>> -> memref<10240x2048xf32, #tpu.memory_space<hbm>>
        tpu.wait_indirect_dma semaphore(%arg17 : memref<!tpu.dma_semaphore, #tpu.memory_space<semaphore_mem>>) src(%arg9 : memref<8x2048xf32, #tpu.memory_space<vmem>>) dst(%dma_wait3A_138 : memref<10240x2048xf32, #tpu.memory_space<hbm>>)
        %add3A_139 = arith.constant 2 : i32
        %add3A_140 = arith.addi %add3A_36, %add3A_139 : i32
        %dma_wait3A_141 = arith.constant 0 : i32
        %dma_wait3A_142 = tpu.memref_slice %arg7[%add3A_140, %dma_wait3A_141] : memref<32x8xi32, #tpu.memory_space<vmem>> -> memref<1x8xi32, #tpu.memory_space<vmem>>
        %dma_wait3A_143 = tpu.memref_squeeze %dma_wait3A_142 : memref<1x8xi32, #tpu.memory_space<vmem>> -> memref<8xi32, #tpu.memory_space<vmem>>
        %dma_wait3A_144 = arith.constant 0 : i32
        %dma_wait3A_145 = arith.constant 0 : i32
        %dma_wait3A_146 = tpu.memref_slice %arg5[%dma_wait3A_144, %dma_wait3A_145] : memref<10240x2048xf32, #tpu.memory_space<hbm>> -> memref<10240x2048xf32, #tpu.memory_space<hbm>>
        tpu.wait_indirect_dma semaphore(%arg18 : memref<!tpu.dma_semaphore, #tpu.memory_space<semaphore_mem>>) src(%arg10 : memref<8x2048xf32, #tpu.memory_space<vmem>>) dst(%dma_wait3A_146 : memref<10240x2048xf32, #tpu.memory_space<hbm>>)
        %add3A_147 = arith.constant 3 : i32
        %add3A_148 = arith.addi %add3A_36, %add3A_147 : i32
        %dma_wait3A_149 = arith.constant 0 : i32
        %dma_wait3A_150 = tpu.memref_slice %arg7[%add3A_148, %dma_wait3A_149] : memref<32x8xi32, #tpu.memory_space<vmem>> -> memref<1x8xi32, #tpu.memory_space<vmem>>
        %dma_wait3A_151 = tpu.memref_squeeze %dma_wait3A_150 : memref<1x8xi32, #tpu.memory_space<vmem>> -> memref<8xi32, #tpu.memory_space<vmem>>
        %dma_wait3A_152 = arith.constant 0 : i32
        %dma_wait3A_153 = arith.constant 0 : i32
        %dma_wait3A_154 = tpu.memref_slice %arg5[%dma_wait3A_152, %dma_wait3A_153] : memref<10240x2048xf32, #tpu.memory_space<hbm>> -> memref<10240x2048xf32, #tpu.memory_space<hbm>>
        tpu.wait_indirect_dma semaphore(%arg19 : memref<!tpu.dma_semaphore, #tpu.memory_space<semaphore_mem>>) src(%arg11 : memref<8x2048xf32, #tpu.memory_space<vmem>>) dst(%dma_wait3A_154 : memref<10240x2048xf32, #tpu.memory_space<hbm>>)
      } else {
      }
    }
    %scan3A_31 = arith.constant 8 : i32
    return
  }
}

module attributes {stable_mosaic.version = 14 : i64} {
  func.func @_swiglu_body(%arg0: i32, %arg1: memref<41xi32, #tpu.memory_space<smem>>, %arg2: memref<256x2048xf32, #tpu.memory_space<vmem>>, %arg3: memref<1x2816x2048xf32, #tpu.memory_space<vmem>>, %arg4: memref<256x1408xf32, #tpu.memory_space<vmem>>) attributes {dimension_semantics = [#tpu.dimension_semantics<arbitrary>], iteration_bounds = array<i64: 40>, scalar_prefetch = 1 : i64, scratch_operands = 0 : i64, tpu.core_type = #tpu.core_type<tc>, window_params = [{transform_indices = @transform_0, window_bounds = array<i64: 256, 2048>}, {transform_indices = @transform_1, window_bounds = array<i64: 1, 2816, 2048>}, {transform_indices = @transform_2, window_bounds = array<i64: 256, 1408>}]} {
    %get3A = arith.constant 40 : index
    %get3A_0 = memref.load %arg1[%get3A] : memref<41xi32, #tpu.memory_space<smem>>
    %lt3A = arith.cmpi slt, %arg0, %get3A_0 : i32
    %convert_element_type3A = arith.extui %lt3A : i1 to i32
    %cond3A = arith.constant 0 : i32
    %cond3A_1 = arith.cmpi ne, %convert_element_type3A, %cond3A : i32
    scf.if %cond3A_1 {
      %get3A_2 = arith.constant 0 : index
      %get3A_3 = arith.constant 0 : index
      %get3A_4 = vector.load %arg2[%get3A_2, %get3A_3] : memref<256x2048xf32, #tpu.memory_space<vmem>>, vector<256x2048xf32>
      %convert_element_type3A_5 = arith.truncf %get3A_4 : vector<256x2048xf32> to vector<256x2048xbf16>
      %get3A_6 = arith.constant 0 : index
      %get3A_7 = arith.constant 0 : index
      %get3A_8 = arith.constant 0 : index
      %get3A_9 = vector.load %arg3[%get3A_6, %get3A_7, %get3A_8] : memref<1x2816x2048xf32, #tpu.memory_space<vmem>>, vector<1x2816x2048xf32>
      %get3A_10 = vector.shape_cast %get3A_9 : vector<1x2816x2048xf32> to vector<2816x2048xf32>
      %convert_element_type3A_11 = arith.truncf %get3A_10 : vector<2816x2048xf32> to vector<2816x2048xbf16>
      %dot_general3A = arith.constant dense<0.000000e+00> : vector<256x2816xf32>
      %dot_general3A_12 = tpu.matmul %convert_element_type3A_5, %convert_element_type3A_11, %dot_general3A {dimension_numbers = #tpu.dot_dimension_numbers<[1], [1], [0], [0], [0, 0, 1, 0], [], []>, transpose_lhs_hint = false} : vector<256x2048xbf16>, vector<2816x2048xbf16>, vector<256x2816xf32> -> vector<256x2816xf32>
      %slice3A = vector.extract_strided_slice %dot_general3A_12 {offsets = [0, 0], sizes = [256, 1408], strides = [1, 1]} : vector<256x2816xf32> to vector<256x1408xf32>
      %slice3A_13 = vector.extract_strided_slice %dot_general3A_12 {offsets = [0, 1408], sizes = [256, 1408], strides = [1, 1]} : vector<256x2816xf32> to vector<256x1408xf32>
      %logistic3A = arith.negf %slice3A : vector<256x1408xf32>
      %logistic3A_14 = math.exp %logistic3A : vector<256x1408xf32>
      %logistic3A_15 = arith.constant 1.000000e+00 : f32
      %logistic3A_16 = vector.broadcast %logistic3A_15 : f32 to vector<256x1408xf32>
      %logistic3A_17 = arith.addf %logistic3A_16, %logistic3A_14 : vector<256x1408xf32>
      %logistic3A_18 = arith.divf %logistic3A_16, %logistic3A_17 : vector<256x1408xf32>
      %mul3A = arith.mulf %slice3A, %logistic3A_18 : vector<256x1408xf32>
      %mul3A_19 = arith.mulf %mul3A, %slice3A_13 : vector<256x1408xf32>
      %swap3A = arith.constant 0 : index
      %swap3A_20 = arith.constant 0 : index
      %swap3A_21 = vector.load %arg4[%swap3A, %swap3A_20] : memref<256x1408xf32, #tpu.memory_space<vmem>>, vector<256x1408xf32>
      tpu.vector_store %arg4[%swap3A, %swap3A_20], %mul3A_19 {strides = array<i32>} : memref<256x1408xf32, #tpu.memory_space<vmem>>, vector<256x1408xf32>,
    } else {
    }
    return
  }
  func.func @transform_0(%arg0: i32, %arg1: memref<41xi32, #tpu.memory_space<smem>>) -> (i32, i32) {
    %get3A = arith.constant 40 : index
    %get3A_0 = memref.load %arg1[%get3A] : memref<41xi32, #tpu.memory_space<smem>>
    %sub3A = arith.constant 1 : i32
    %sub3A_1 = arith.subi %get3A_0, %sub3A : i32
    %min3A = arith.minsi %arg0, %sub3A_1 : i32
    %c0_i32 = arith.constant 0 : i32
    %c0_i32_2 = arith.constant 0 : i32
    return %min3A, %c0_i32 : i32, i32
  }
  func.func @transform_1(%arg0: i32, %arg1: memref<41xi32, #tpu.memory_space<smem>>) -> (i32, i32, i32) {
    %get3A = arith.index_cast %arg0 : i32 to index
    %get3A_0 = memref.load %arg1[%get3A] : memref<41xi32, #tpu.memory_space<smem>>
    %c0_i32 = arith.constant 0 : i32
    %c0_i32_1 = arith.constant 0 : i32
    %c0_i32_2 = arith.constant 0 : i32
    return %get3A_0, %c0_i32, %c0_i32_1 : i32, i32, i32
  }
  func.func @transform_2(%arg0: i32, %arg1: memref<41xi32, #tpu.memory_space<smem>>) -> (i32, i32) {
    %c0_i32 = arith.constant 0 : i32
    %c0_i32_0 = arith.constant 0 : i32
    return %arg0, %c0_i32 : i32, i32
  }
}

module attributes {stable_mosaic.version = 14 : i64} {
  func.func @_down_body(%arg0: i32, %arg1: memref<41xi32, #tpu.memory_space<smem>>, %arg2: memref<256x1408xf32, #tpu.memory_space<vmem>>, %arg3: memref<1x2048x1408xf32, #tpu.memory_space<vmem>>, %arg4: memref<256x2048xf32, #tpu.memory_space<vmem>>) attributes {dimension_semantics = [#tpu.dimension_semantics<arbitrary>], iteration_bounds = array<i64: 40>, scalar_prefetch = 1 : i64, scratch_operands = 0 : i64, tpu.core_type = #tpu.core_type<tc>, window_params = [{transform_indices = @transform_0, window_bounds = array<i64: 256, 1408>}, {transform_indices = @transform_1, window_bounds = array<i64: 1, 2048, 1408>}, {transform_indices = @transform_2, window_bounds = array<i64: 256, 2048>}]} {
    %get3A = arith.constant 40 : index
    %get3A_0 = memref.load %arg1[%get3A] : memref<41xi32, #tpu.memory_space<smem>>
    %lt3A = arith.cmpi slt, %arg0, %get3A_0 : i32
    %convert_element_type3A = arith.extui %lt3A : i1 to i32
    %cond3A = arith.constant 0 : i32
    %cond3A_1 = arith.cmpi ne, %convert_element_type3A, %cond3A : i32
    scf.if %cond3A_1 {
      %get3A_2 = arith.constant 0 : index
      %get3A_3 = arith.constant 0 : index
      %get3A_4 = vector.load %arg2[%get3A_2, %get3A_3] : memref<256x1408xf32, #tpu.memory_space<vmem>>, vector<256x1408xf32>
      %convert_element_type3A_5 = arith.truncf %get3A_4 : vector<256x1408xf32> to vector<256x1408xbf16>
      %get3A_6 = arith.constant 0 : index
      %get3A_7 = arith.constant 0 : index
      %get3A_8 = arith.constant 0 : index
      %get3A_9 = vector.load %arg3[%get3A_6, %get3A_7, %get3A_8] : memref<1x2048x1408xf32, #tpu.memory_space<vmem>>, vector<1x2048x1408xf32>
      %get3A_10 = vector.shape_cast %get3A_9 : vector<1x2048x1408xf32> to vector<2048x1408xf32>
      %convert_element_type3A_11 = arith.truncf %get3A_10 : vector<2048x1408xf32> to vector<2048x1408xbf16>
      %dot_general3A = arith.constant dense<0.000000e+00> : vector<256x2048xf32>
      %dot_general3A_12 = tpu.matmul %convert_element_type3A_5, %convert_element_type3A_11, %dot_general3A {dimension_numbers = #tpu.dot_dimension_numbers<[1], [1], [0], [0], [0, 0, 1, 0], [], []>, transpose_lhs_hint = false} : vector<256x1408xbf16>, vector<2048x1408xbf16>, vector<256x2048xf32> -> vector<256x2048xf32>
      %swap3A = arith.constant 0 : index
      %swap3A_13 = arith.constant 0 : index
      %swap3A_14 = vector.load %arg4[%swap3A, %swap3A_13] : memref<256x2048xf32, #tpu.memory_space<vmem>>, vector<256x2048xf32>
      tpu.vector_store %arg4[%swap3A, %swap3A_13], %dot_general3A_12 {strides = array<i32>} : memref<256x2048xf32, #tpu.memory_space<vmem>>, vector<256x2048xf32>,
    } else {
    }
    return
  }
  func.func @transform_0(%arg0: i32, %arg1: memref<41xi32, #tpu.memory_space<smem>>) -> (i32, i32) {
    %get3A = arith.constant 40 : index
    %get3A_0 = memref.load %arg1[%get3A] : memref<41xi32, #tpu.memory_space<smem>>
    %sub3A = arith.constant 1 : i32
    %sub3A_1 = arith.subi %get3A_0, %sub3A : i32
    %min3A = arith.minsi %arg0, %sub3A_1 : i32
    %c0_i32 = arith.constant 0 : i32
    %c0_i32_2 = arith.constant 0 : i32
    return %min3A, %c0_i32 : i32, i32
  }
  func.func @transform_1(%arg0: i32, %arg1: memref<41xi32, #tpu.memory_space<smem>>) -> (i32, i32, i32) {
    %get3A = arith.index_cast %arg0 : i32 to index
    %get3A_0 = memref.load %arg1[%get3A] : memref<41xi32, #tpu.memory_space<smem>>
    %c0_i32 = arith.constant 0 : i32
    %c0_i32_1 = arith.constant 0 : i32
    %c0_i32_2 = arith.constant 0 : i32
    return %get3A_0, %c0_i32, %c0_i32_1 : i32, i32, i32
  }
  func.func @transform_2(%arg0: i32, %arg1: memref<41xi32, #tpu.memory_space<smem>>) -> (i32, i32) {
    %c0_i32 = arith.constant 0 : i32
    %c0_i32_0 = arith.constant 0 : i32
    return %arg0, %c0_i32 : i32, i32
  }
}

</mosaic_0001>

<sc_bundles>
// kernel: gather_offload_async_start.1
scs
__scs_entry_jumppad:
0x0: {  	(pc) =	sbr.rel $0x88, $3  }
0x1: {  	(tag) =	ssettag $0x0;
	lr =	simm.s32 $0x1  }
0x2: {  	[smem:$0x3F9C] =	sst lr;
	_ =	strace $0xD0000000  }
0x3: {  	_ = 	snop  }
0x4: {  	_ = 	snop  }
0x5: {  	_ = 	snop  }
0x6: {  	_ = 	snop  }
0x7: {  	_ = 	snop  }
__scs_overlays_trampoline_lowered:
0x8: {  	[smem:$0x3FAB] =	sst s0  }
0x9: {  	[smem:$0x3FAC] =	sst s1  }
0xa: {  	[smem:$0x3FAD] =	sst s2  }
0xb: {  	[smem:$0x3FAE] =	sst s3  }
0xc: {  	[smem:$0x3FAF] =	sst s4  }
0xd: {  	[smem:$0x3FB0] =	sst s5  }
0xe: {  	[smem:$0x3FB1] =	sst s6  }
0xf: {  	[smem:$0x3FB2] =	sst s7  }
0x10: {  	[smem:$0x3FB3] =	sst s8  }
0x11: {  	[smem:$0x3FB4] =	sst s9;
	s0 =	simm.s32 @!p0 $0x0  }
0x12: {  	s1 =	sld [smem:$0x3F9A];
	s0 =	simm.s32 @p0 $0x1  }
0x13: {  	[smem:$0x3FB5] =	sst s0;
	s0 =	simm.s32 @!p1 $0x0  }
0x14: {  	s2 =	sld [smem:$0x3F99];
	s0 =	simm.s32 @p1 $0x1  }
0x15: {  	[smem:$0x3FB6] =	sst s0;
	s0 =	simm.s32 @!p2 $0x0  }
0x16: {  	s3 =	sld [smem:$0x3FDB];
	s0 =	simm.s32 @p2 $0x1  }
0x17: {  	s4 =	simm.s32 $0x1BF5;
	[smem:$0x3FB8] =	sst s0  }
0x18: {  	s0 =	sld [smem:$0x3F9B];
	_ =	swait.ge [sflag:s4], $0x0  }
0x19: {  	s7 =	sld [smem:$0x3F9C]  }
0x1a: {  	s8 =	sadd.s32 $0xFFFFE003, lr  }
0x1b: {  	s9 =	sadd.s32 $0xFFFFFEF7, lr;
	s5 =	simm.s32 $0xFFFFFFFF;
	p2 =	slt.u32 s8, $0xFFFFF086  }
0x1c: {  	p1 =	slt.u32 s9, $0xF7A;
	s5 =	simm.s32 @!p2 $0x0  }
0x1d: {  	s5 =	simm.s32 @p1 $0x1;
	p0 =	seq.s32 s7, s2  }
0x1e: {  	s7 =	smul.u32 @!p0 $0xF7A, s2;
	p2 =	seq.s32 @!p0 s5, $0x0  }
0x1f: {  	s9 =	smul.u32 $0xF7A, s1;
	s8 =	simm.s32 @!p0 $0x1BF5;
	p2 =	por !p2, p0  }
0x20: {  	[sflag:s8] =	ssyncset.s32 @!p0 $0xFFFFF086;
	s6 =	sadd.s32 @!p0 s3, s7;
	s7 =	simm.s32 @!p0 $0x108  }
0x21: {  	s3 =	sadd.s32 s3, s9;
	s6 =	sadd.s32 @!p0 $0x88, s6;
	s7 =	simm.s32 @p2 $0x1082  }
0x22: {  	[simem:s7], [sflag:s8] =	dma.local @!p0 [hbm:s6], $0xF7A  }
0x23: {  	s9 =	sor.u32 $0xD0000000, s2;
	s6 =	simm.s32 $0x108;
	_ =	swait.ge @!p0 [sflag:s8], $0x0  }
0x24: {  	s3 =	sadd.s32 $0x88, s3;
	s6 =	simm.s32 @!p1 $0x1082;
	[sflag:s4] =	ssyncset.s32 $0xFFFFF086  }
0x25: {  	[simem:s6], [sflag:s4] =	dma.local [hbm:s3], $0xF7A  }
0x26: {  	[smem:$0x3F9C] =	sst s1;
	(tag) =	ssettag s2;
	_ =	strace s9  }
0x27: {  	s1 =	sld [smem:$0x3FAC]  }
0x28: {  	s2 =	sld [smem:$0x3FAD]  }
0x29: {  	s4 =	sld [smem:$0x3FAF]  }
0x2a: {  	p0 =	seq.s32 s5, $0x0;
	s5 =	sld [smem:$0x3FB0]  }
0x2b: {  	s6 =	sld [smem:$0x3FB1]  }
0x2c: {  	s7 =	sld [smem:$0x3FB2]  }
0x2d: {  	s3 =	simm.s32 $0x108;
	s8 =	sld [smem:$0x3FB3]  }
0x2e: {  	s3 =	simm.s32 @!p0 $0x1082;
	s9 =	sld [smem:$0x3FB4]  }
0x2f: {  	lr =	sadd.s32 s0, s3;
	s0 =	sld [smem:$0x3FAB]  }
0x30: {  	s3 =	sld [smem:$0x3FAE]  }
0x31: {  	[smem:$0x3FB7] =	sst s10  }
0x32: {  	s10 =	sld [smem:$0x3FB5];
	_ =	sdelay $0x3  }
0x33: {  	p0 =	seq.s32 s10, $0x1;
	s10 =	sld [smem:$0x3FB7];
	_ =	sdelay $0x3  }
0x34: {  	[smem:$0x3FB7] =	sst s10  }
0x35: {  	s10 =	sld [smem:$0x3FB6];
	_ =	sdelay $0x3  }
0x36: {  	p1 =	seq.s32 s10, $0x1;
	s10 =	sld [smem:$0x3FB7];
	_ =	sdelay $0x3  }
0x37: {  	[smem:$0x3FB7] =	sst s10  }
0x38: {  	s10 =	sld [smem:$0x3FB8]  }
0x39: {  	_ = 	snop;
	(pc) =	sbr.ind lr, $3  }
0x3a: {  	_ = 	snop  }
0x3b: {  	_ = 	snop  }
0x3c: {  	p2 =	seq.s32 s10, $0x1;
	s10 =	sld [smem:$0x3FB7]  }
0x3d: {  	_ =	shalt  }
0x3e: {  	_ =	shalt  }
0x3f: {  	_ =	shalt  }
0x40: {  	_ =	shalt  }
0x41: {  	_ =	shalt  }
0x42: {  	_ =	shalt  }
0x43: {  	_ =	shalt  }
0x44: {  	_ =	shalt  }
0x45: {  	_ =	shalt  }
0x46: {  	_ =	shalt  }
0x47: {  	_ =	shalt  }
0x48: {  	_ =	shalt  }
0x49: {  	_ =	shalt  }
0x4a: {  	_ =	shalt  }
0x4b: {  	_ =	shalt  }
0x4c: {  	_ =	shalt  }
0x4d: {  	_ =	shalt  }
0x4e: {  	_ =	shalt  }
0x4f: {  	_ =	shalt  }
0x50: {  	_ =	shalt  }
0x51: {  	_ =	shalt  }
0x52: {  	_ =	shalt  }
0x53: {  	_ =	shalt  }
0x54: {  	_ =	shalt  }
0x55: {  	_ =	shalt  }
0x56: {  	_ =	shalt  }
0x57: {  	_ =	shalt  }
0x58: {  	_ =	shalt  }
0x59: {  	_ =	shalt  }
0x5a: {  	_ =	shalt  }
0x5b: {  	_ =	shalt  }
0x5c: {  	_ =	shalt  }
0x5d: {  	_ =	shalt  }
0x5e: {  	_ =	shalt  }
0x5f: {  	_ =	shalt  }
0x60: {  	_ =	shalt  }
0x61: {  	_ =	shalt  }
0x62: {  	_ =	shalt  }
0x63: {  	_ =	shalt  }
0x64: {  	_ =	shalt  }
0x65: {  	_ =	shalt  }
0x66: {  	_ =	shalt  }
0x67: {  	_ =	shalt  }
0x68: {  	_ =	shalt  }
0x69: {  	_ =	shalt  }
0x6a: {  	_ =	shalt  }
0x6b: {  	_ =	shalt  }
0x6c: {  	_ =	shalt  }
0x6d: {  	_ =	shalt  }
0x6e: {  	_ =	shalt  }
0x6f: {  	_ =	shalt  }
0x70: {  	_ =	shalt  }
0x71: {  	_ =	shalt  }
0x72: {  	_ =	shalt  }
0x73: {  	_ =	shalt  }
0x74: {  	_ =	shalt  }
0x75: {  	_ =	shalt  }
0x76: {  	_ =	shalt  }
0x77: {  	_ =	shalt  }
0x78: {  	_ =	shalt  }
0x79: {  	_ =	shalt  }
0x7a: {  	_ =	shalt  }
0x7b: {  	_ =	shalt  }
0x7c: {  	_ =	shalt  }
0x7d: {  	_ =	shalt  }
0x7e: {  	_ =	shalt  }
0x7f: {  	_ =	shalt  }
0x80: {  	_ =	shalt  }
0x81: {  	_ =	shalt  }
0x82: {  	_ =	shalt  }
0x83: {  	_ =	shalt  }
0x84: {  	_ =	shalt  }
0x85: {  	_ =	shalt  }
0x86: {  	_ =	shalt  }
0x87: {  	_ =	shalt  }
.Lfunc_end0:
.L_simem_size_0:
called_computation.1_lowered:
.L_overlay_start_0:
0x88: {  	s2 =	sld [smem:$0x3FD9]  }
0x89: {  	s3 =	sld [smem:$0x3FFE];
	_ =	sdelay $0x1  }
0x8a: {  	s1 =	srdreg.scid  }
0x8b: {  	s0 =	sand.u32 $0x1, s1  }
0x8c: {  	s17 =	sshll.u32 s0, $0xA;
	s2 =	sadd.s32 s3, s2  }
0x8d: {  	s2 =	sadd.s32 s2, s17  }
0x8e: {  	[smem:$0x3FC3] =	sst s2  }
0x8f: {  	_ = 	snop  }
0x90: {  	s18 =	sld [smem:$0x3FD0];
	(tm) =	ssettm $0x1  }
0x91: {  	s19 =	sld [smem:$0x3FFB];
	_ =	sdelay $0x3  }
0x92: {  	_ =	strace s19  }
0x93: {  	s2 =	sld [smem:$0x3FFC];
	_ =	sdelay $0x3  }
0x94: {  	_ =	strace s2  }
0x95: {  	s2 =	sld [smem:$0x3FFD];
	_ =	sdelay $0x3  }
0x96: {  	_ =	strace s2  }
0x97: {  	_ =	strace $0x8FFFFFFF  }
0x98: {  	s20 =	sld [smem:$0x3FDB];
	_ =	sdelay $0x1  }
0x99: {  	s4 =	simm.s32 $_scs_section_size  }
0x9a: {  	s5 =	simm.s32 $_size__tile_overlayer_lowered;
	s6 =	simm.s32 $_tile_overlayer_lowered  }
0x9b: {  	s7 =	simm.s32 $0x1BFF;
	s21 =	sshll.u32 s6, $0x1;
	s4 =	sadd.s32 s4, s20  }
0x9c: {  	s22 =	simm.s32 $0x0;
	s5 =	sshll.u32 s5, $0x1;
	s6 =	sadd.s32 s21, s4  }
0x9d: {  	[timem:s22], [sflag:s7] =	dma.local [hbm:s6], s5  }
0x9e: {  	_ =	swait.ge [sflag:s7], s5  }
0x9f: {  	s5 =	ssub.s32 $0x0, s5;
	[sflag:s7] =	ssyncset.done $0x0  }
0xa0: {  	[sflag:s7] =	ssyncadd.s32 s5;
	_ =	sdelay $0x1  }
0xa1: {  	s23 =	simm.s32 $0x1B8B  }
0xa2: {  	_ =	swait.ge [sflag:s23], $0x1  }
0xa3: {  	[sflag:s23] =	ssyncset.done $0x0  }
0xa4: {  	[sflag:s23] =	ssyncadd.s32 $0xFFFFFFFF  }
0xa5: {  	s5 =	sld [smem:$0x0]  }
0xa6: {  	s6 =	sand.u32 $0xFFFFFFFE, s1  }
0xa7: {  	p0 =	sne.s32 s1, s6  }
0xa8: {  	s6 =	sshll.u32 @p0 s6, $0xE  }
0xa9: {  	s6 =	sadd.s32 @p0 $0x11B8D, s6;
	s7 =	sshll.u32 @p0 s5, $0x11  }
0xaa: {  	s6 =	sor.u32 @p0 s7, s6  }
0xab: {  	[sflag:s6] =	ssyncadd.remote.s32 @p0 $0x1;
	_ =	sdelay $0x1  }
0xac: {  	s6 =	simm.s32 @p0 $0x1B8D  }
0xad: {  	_ =	swait.eq @p0 [sflag:s6], $0x1  }
0xae: {  	[sflag:s6] =	ssyncadd.s32 @p0 $0xFFFFFFFF  }
0xaf: {  	s7 =	sshll.u32 @!p0 s1, $0xE  }
0xb0: {  	s7 =	sor.u32 @!p0 $0x4000, s7;
	s6 =	simm.s32 @!p0 $0x1B8D  }
0xb1: {  	s5 =	sshll.u32 @!p0 s5, $0x11;
	s7 =	sadd.s32 @!p0 $0x11B8D, s7;
	_ =	swait.eq @!p0 [sflag:s6], $0x1  }
0xb2: {  	s5 =	sor.u32 @!p0 s5, s7;
	[sflag:s6] =	ssyncadd.s32 @!p0 $0xFFFFFFFF  }
0xb3: {  	s25 =	simm.s32 $0x1B8E;
	s24 =	sld [smem:$0x3FFE];
	[sflag:s5] =	ssyncadd.remote.s32 @!p0 $0x1  }
0xb4: {  	s26 =	simm.s32 $execute0_lowered;
	[smem:$0x3FD2] =	sst s25  }
0xb5: {  	s6 =	sshll.u32 s26, $0x1;
	_ =	strace $0x8000004C;
	[dreg:$0x1] =	wrdreg $0xFFFFFFFF  }
0xb6: {  	s28 =	simm.s32 $_size_execute0_lowered;
	s4 =	sadd.s32 s4, s6;
	[dreg:$0x0] =	wrdreg $0x0  }
0xb7: {  	s6 =	sshll.u32 s28, $0x1;
	[dreg:$0x2] =	wrdreg s4  }
0xb8: {  	[dreg:$0x3] =	wrdreg s6  }
0xb9: {  	[dreg:$0x4] =	wrdreg $0xC0  }
0xba: {  	_ =	task [dreg:s22], $0x5FFFF  }
0xbb: {  	[dreg:$0x1] =	wrdreg $0xFFFFFFFF  }
0xbc: {  	[dreg:$0x0] =	wrdreg $0x60  }
0xbd: {  	[dreg:$0x2] =	wrdreg s24  }
0xbe: {  	[dreg:$0x3] =	wrdreg s18  }
0xbf: {  	[dreg:$0x4] =	wrdreg $0xA  }
0xc0: {  	_ =	task.clear_ibuf [dreg:s22], $0x5FFFF;
	_ =	strace $0x9000004C  }
0xc1: {  	s29 =	simm.s32 $0xA;
	_ =	strace $0x8000004E  }
0xc2: {  	_ =	swait.ge [sflag:s29], $0x1  }
0xc3: {  	[sflag:s29] =	ssyncadd.s32 $0xFFFFFFFF  }
0xc4: {  	_ =	strace $0x9000004E  }
0xc5: {  	_ =	sfence  }
0xc6: {  	s30 =	sld [smem:$0x0];
	_ =	sdelay $0x2  }
0xc7: {  	s31 =	sshll.u32 s1, $0xD;
	s1 =	sshrl.u32 s1, $0x2  }
0xc8: {  	s4 =	sand.u32 $0x4000, s31;
	s1 =	sadd.s32 s1, s30  }
0xc9: {  	s0 =	sor.u32 s4, s0;
	s1 =	sshll.u32 s1, $0x11  }
0xca: {  	s0 =	sor.u32 s1, s0  }
0xcb: {  	s0 =	sadd.s32 $0x8F2B, s0  }
0xcc: {  	[sflag:s0] =	ssyncadd.remote.s32 $0x1  }
0xcd: {  	_ =	sfence.sel $0xFFFF  }
0xce: {  	[dreg:$0x0] =	wrdreg $0xFFFFFFFF;
	(pc) =	sbr.abs _section_cstart, $3  }
0xcf: {  	[dreg:$0x1] =	wrdreg $0xFFFFFFFF  }
0xd0: {  	_ =	task.clear_ibuf [dreg:s22], $0x2FFFF;
	_ =	strace $0x9FFFFFFF  }
0xd1: {  	(tm) =	ssettm $0x7FFFFFFF  }
tec
execute0_lowered:
.L_overlay_start_1:
0x0: {  	(tag) =	ssettag $0x1  }
0x1: {  	s2 =	rddreg [dreg:$0x0]  }
0x2: {  	s3 =	rddreg [dreg:$0x1]  }
0x3: {  	s0 =	rddreg [dreg:$0x2];
	s1 =	srdreg.scid;
	_ =	strace $0x8000004D  }
0x4: {  	s4 =	simm.s32 $0x1;
	s9 =	simm.s32 $0x3;
	s5 =	sshll.u32 s1, $0x4  }
.Ltmp0:
0x5: {  	s1 =	stileid.u32;
	s5 =	sand.u32 $0x10, s5;
	(pc) =	sbr.rel .LBB2_1-.Ltmp0, $4  }
0x6: {  	s11 =	simm.s32 $0x0;
	p0 =	por $0x0, $0x0;
	s6 =	sor.u32 s1, s5  }
0x7: {  	[sflag:s4] =	ssyncpa.u1 $0x0;
	s5 =	simm.s32 $0x2;
	s6 =	sshll.u32 s6, $0x7  }
0x8: {  	s7 =	sadd.s32 $0x284A00, s2;
	[sflag:s5] =	ssyncpa.u1 $0x0;
	s8 =	sadd.s32 $0x80, s6  }
0x9: {  	vm0 =	vmmov $0xff;
	vm1 =	vcmask $0x3F20;
	[sflag:s9] =	ssyncpa.u1 $0x0;
	s10 =	smov.u32 s6;
	s9 =	simm.s32 $0x0  }
.LBB2_5:
0xa: {  	p1 =	slt.u32 s9, $0x2;
	s11 =	sadd.s32 $0x10, s10  }
0xb: {  	s13 =	smov.u32 s6;
	s9 =	sadd.s32 $0x1, s9;
	p2 =	slt.s32 s11, s8  }
0xc: {  	s13 =	smov.u32 @p2 s11;
	p2 =	sne.s32 s9, $0xA  }
.Ltmp1:
0xd: {  	_ = 	snop;
	(pc) =	sbr.rel @!p2 .LBB2_6-.Ltmp1, $4  }
0xe: {  	s12 =	simm.s32 @!p1 $0x3  }
0xf: {  	_ =	swait.ge @!p1 [sflag:s12], $0x8000  }
0x10: {  	p0 =	por !p0, !p0;
	[sflag:s12] =	ssyncset.done @!p1 $0x0  }
0x11: {  	s11 =	smov.u32 s10;
	s10 =	smov.u32 s13;
	[sflag:s12] =	ssyncadd.s32 @!p1 $0xFFFF8000  }
.LBB2_1:
0x12: {  	p1 =	sgt.u32 s9, $0x7  }
0x13: {  	s12 =	sxor.u32 @!p1 $0xFFFFFFFF, s9  }
0x14: {  	s13 =	sshrl.u32 @!p1 s10, $0x3;
	s12 =	sshll.u32 @!p1 s12, $0x4  }
0x15: {  	s14 =	sand.u32 @!p1 $0x7, s10;
	s13 =	sadd.s32 @!p1 s7, s13;
	s12 =	sand.u32 @!p1 $0x10, s12  }
0x16: {  	[tilespmem:s12], [sflag:$0x2] =	stream.linear.gather @!p1 [hbm4b:s13+s14], $0x10, $0x38;
	[tilespmem:$0x10020] =	vst v63  }
0x17: {  	p1 =	seq.s32 s9, $0x0  }
0x18: {  	p2 =	seq.s32 @!p1 s9, $0x9  }
0x19: {  	p1 =	por p1, p2  }
.Ltmp2:
0x1a: {  	_ = 	snop;
	(pc) =	sbr.rel @p1 .LBB2_5-.Ltmp2, $1  }
0x1b: {  	_ =	sdelay $0x3  }
0x1c: {  	_ =	swait.ge [sflag:s5], $0x10  }
0x1d: {  	s12 =	sand.u32 $0x1, s9;
	[sflag:s5] =	ssyncset.done $0x0  }
0x1e: {  	s13 =	sshll.u32 s12, $0x4;
	[sflag:s5] =	ssyncadd.s32 $0xFFFFFFF0  }
0x1f: {  	v0 =	vld.msk [tilespmem:s13+$0x0 ss:$0x1], $0xffff;
	_ =	sdelay $0x4  }
0x20: {  	vm2 =	vgt.s32 v0, $0x0  }
0x21: {  	v0 =	vnsel vm2, $0x0, v0  }
0x22: {  	v0 =	vmin.u32 v0, $0x27FF  }
0x23: {  	v1 =	vshll.u32 v0, $0x8;
	v0 =	vshll.u32 v0, $0x4  }
0x24: {  	v1 =	vand.u32 $0x3FF800, v1;
	v0 =	vand.u32 $0x70, v0  }
0x25: {  	s13 =	simm.s32 $0x1;
	v0 =	vor.u32 v0, v1  }
0x26: {  	s13 =	simm.s32 @!p0 $0x0  }
0x27: {  	s13 =	sshll.u32 s13, $0xF  }
0x28: {  	s14 =	sor.u32 $0x20, s13  }
0x29: {  	s12 =	sshll.u32 s12, $0xF;
	s16 =	sadd.s32 $0x0, s14  }
0x2a: {  	[tilespmem:s16], [sflag:$0x1] =	stream.indirect_vreg.gather [hbm:s2], $0x80, v0, vm0, $0x38;
	[tilespmem:$0x10020] =	vst v63  }
0x2b: {  	s15 =	simm.s32 $0x1000;
	s13 =	sor.u32 $0x20, s12;
	v1 =	vadd.s32 $0x80, v0;
	s16 =	sadd.s32 $0x4000, s16  }
.LBB2_3:
0x2c: {  	[tilespmem:s16], [sflag:$0x1] =	stream.indirect_vreg.gather [hbm:s2], $0x80, v0, vm1, $0x38;
	[tilespmem:$0x10020] =	vst v63  }
0x2d: {  	v0 =	vmov v1;
	s16 =	smov.u32 s15;
	p1 =	sne.s32 s15, $0xF000  }
.Ltmp3:
0x2e: {  	s15 =	sadd.s32 $0x1000, s15;
	(pc) =	sbr.rel @p1 .LBB2_3-.Ltmp3, $4  }
0x2f: {  	s16 =	sshra.s32 s16, $0x2  }
0x30: {  	s16 =	sadd.s32 s16, s14  }
0x31: {  	[tilespmem:s16], [sflag:$0x1] =	stream.indirect_vreg.gather [hbm:s2], $0x80, v1, vm0, $0x38;
	[tilespmem:$0x10020] =	vst v63  }
0x32: {  	s16 =	sadd.s32 $0x4000, s16;
	v1 =	vadd.s32 $0x80, v1  }
0x33: {  	_ =	sdelay $0x3  }
0x34: {  	[tilespmem:s16], [sflag:$0x1] =	stream.indirect_vreg.gather [hbm:s2], $0x80, v0, vm1, $0x38;
	[tilespmem:$0x10020] =	vst v63  }
0x35: {  	s14 =	sshll.u32 s11, $0x4;
	s31 =	sshll.u32 s11, $0x8  }
0x36: {  	_ =	swait.ge [sflag:s4], $0x8000;
	s14 =	sand.u32 $0x70, s14;
	s11 =	sand.u32 $0xFFFFF800, s31  }
.Ltmp4:
0x37: {  	[sflag:s4] =	ssyncset.done $0x0;
	s14 =	sadd.s32 s3, s14;
	(pc) =	sbr.rel .LBB2_5-.Ltmp4, $4  }
0x38: {  	[sflag:s4] =	ssyncadd.s32 $0xFFFF8000;
	s11 =	sadd.s32 s11, s14  }
0x39: {  	[hbm:s11] =	stream.linear.scatter [tilespmem:s13], [sflag:$0x3], $0x4000, $0x38;
	[tilespmem:$0x10020] =	vst v63  }
0x3a: {  	s12 =	sadd.s32 $0x4020, s12;
	s11 =	sadd.s32 $0x800, s11  }
0x3b: {  	[hbm:s11] =	stream.linear.scatter [tilespmem:s12], [sflag:$0x3], $0x4000, $0x38;
	[tilespmem:$0x10020] =	vst v63  }
.LBB2_6:
0x3c: {  	_ =	sfence.sel $0x180000  }
0x3d: {  	s2 =	simm.s32 $0x2;
	[bflag:$0x0] =	sbarrier.arrive $0xFFFF  }
0x3e: {  	s30 =	simm.s32 $0x3;
	[sflag:s2] =	ssyncpa.u1 $0x1  }
0x3f: {  	s31 =	simm.s32 $0x1;
	[sflag:s30] =	ssyncpa.u1 $0x1  }
0x40: {  	[sflag:s31] =	ssyncpa.u1 $0x1  }
0x41: {  	p0 =	sne.s32 s1, $0x0;
	_ =	strace $0x9000004D  }
0x42: {  	s0 =	sadd.s32 @!p0 $0x100000, s0;
	[bflag:$0x2] =	sbarrier.arrive $0xFFFF  }
0x43: {  	[sflag:s0] =	ssyncadd.tile.s32 @!p0 $0x1;
	_ =	shalt  }
.Lfunc_end2:
_tile_overlayer_lowered:
.L_overlay_start_2:
0x44: {  	(tag) =	ssettag $0x2  }
0x45: {  	s0 =	rddreg [dreg:$0x0];
	s2 =	stileid.u32  }
0x46: {  	s1 =	rddreg [dreg:$0x1];
	p0 =	sne.s32 s2, $0x0  }
0x47: {  	s3 =	rddreg [dreg:$0x2];
	[bflag:$0x3] =	sbarrier.arrive $0xFFFF;
	s2 =	simm.s32 @!p0 $0x1C01  }
0x48: {  	[timem:s3], [sflag:s2] =	dma.local @!p0 [hbm:s0], s1  }
0x49: {  	s0 =	simm.s32 @!p0 $0x1  }
0x4a: {  	_ =	swait.ge @!p0 [sflag:s0], s1  }
0x4b: {  	s1 =	ssub.s32 @!p0 $0x0, s1;
	[sflag:s0] =	ssyncset.done @!p0 $0x0  }
0x4c: {  	[sflag:s0] =	ssyncadd.s32 @!p0 s1  }
0x4d: {  	[bflag:$0x3] =	sbarrier.arrive $0xFFFF  }
0x4e: {  	_ =	shalt  }

// kernel: gather_offload_async_start
scs
__scs_entry_jumppad:
0x0: {  	(pc) =	sbr.rel $0x88, $3  }
0x1: {  	(tag) =	ssettag $0x0;
	lr =	simm.s32 $0x1  }
0x2: {  	[smem:$0x3F9C] =	sst lr;
	_ =	strace $0xD0000000  }
0x3: {  	_ = 	snop  }
0x4: {  	_ = 	snop  }
0x5: {  	_ = 	snop  }
0x6: {  	_ = 	snop  }
0x7: {  	_ = 	snop  }
__scs_overlays_trampoline_lowered:
0x8: {  	[smem:$0x3FAB] =	sst s0  }
0x9: {  	[smem:$0x3FAC] =	sst s1  }
0xa: {  	[smem:$0x3FAD] =	sst s2  }
0xb: {  	[smem:$0x3FAE] =	sst s3  }
0xc: {  	[smem:$0x3FAF] =	sst s4  }
0xd: {  	[smem:$0x3FB0] =	sst s5  }
0xe: {  	[smem:$0x3FB1] =	sst s6  }
0xf: {  	[smem:$0x3FB2] =	sst s7  }
0x10: {  	[smem:$0x3FB3] =	sst s8  }
0x11: {  	[smem:$0x3FB4] =	sst s9;
	s0 =	simm.s32 @!p0 $0x0  }
0x12: {  	s1 =	sld [smem:$0x3F9A];
	s0 =	simm.s32 @p0 $0x1  }
0x13: {  	[smem:$0x3FB5] =	sst s0;
	s0 =	simm.s32 @!p1 $0x0  }
0x14: {  	s2 =	sld [smem:$0x3F99];
	s0 =	simm.s32 @p1 $0x1  }
0x15: {  	[smem:$0x3FB6] =	sst s0;
	s0 =	simm.s32 @!p2 $0x0  }
0x16: {  	s3 =	sld [smem:$0x3FDB];
	s0 =	simm.s32 @p2 $0x1  }
0x17: {  	s4 =	simm.s32 $0x1BF5;
	[smem:$0x3FB8] =	sst s0  }
0x18: {  	s0 =	sld [smem:$0x3F9B];
	_ =	swait.ge [sflag:s4], $0x0  }
0x19: {  	s7 =	sld [smem:$0x3F9C]  }
0x1a: {  	s8 =	sadd.s32 $0xFFFFE003, lr  }
0x1b: {  	s9 =	sadd.s32 $0xFFFFFEF7, lr;
	s5 =	simm.s32 $0xFFFFFFFF;
	p2 =	slt.u32 s8, $0xFFFFF086  }
0x1c: {  	p1 =	slt.u32 s9, $0xF7A;
	s5 =	simm.s32 @!p2 $0x0  }
0x1d: {  	s5 =	simm.s32 @p1 $0x1;
	p0 =	seq.s32 s7, s2  }
0x1e: {  	s7 =	smul.u32 @!p0 $0xF7A, s2;
	p2 =	seq.s32 @!p0 s5, $0x0  }
0x1f: {  	s9 =	smul.u32 $0xF7A, s1;
	s8 =	simm.s32 @!p0 $0x1BF5;
	p2 =	por !p2, p0  }
0x20: {  	[sflag:s8] =	ssyncset.s32 @!p0 $0xFFFFF086;
	s6 =	sadd.s32 @!p0 s3, s7;
	s7 =	simm.s32 @!p0 $0x108  }
0x21: {  	s3 =	sadd.s32 s3, s9;
	s6 =	sadd.s32 @!p0 $0x88, s6;
	s7 =	simm.s32 @p2 $0x1082  }
0x22: {  	[simem:s7], [sflag:s8] =	dma.local @!p0 [hbm:s6], $0xF7A  }
0x23: {  	s9 =	sor.u32 $0xD0000000, s2;
	s6 =	simm.s32 $0x108;
	_ =	swait.ge @!p0 [sflag:s8], $0x0  }
0x24: {  	s3 =	sadd.s32 $0x88, s3;
	s6 =	simm.s32 @!p1 $0x1082;
	[sflag:s4] =	ssyncset.s32 $0xFFFFF086  }
0x25: {  	[simem:s6], [sflag:s4] =	dma.local [hbm:s3], $0xF7A  }
0x26: {  	[smem:$0x3F9C] =	sst s1;
	(tag) =	ssettag s2;
	_ =	strace s9  }
0x27: {  	s1 =	sld [smem:$0x3FAC]  }
0x28: {  	s2 =	sld [smem:$0x3FAD]  }
0x29: {  	s4 =	sld [smem:$0x3FAF]  }
0x2a: {  	p0 =	seq.s32 s5, $0x0;
	s5 =	sld [smem:$0x3FB0]  }
0x2b: {  	s6 =	sld [smem:$0x3FB1]  }
0x2c: {  	s7 =	sld [smem:$0x3FB2]  }
0x2d: {  	s3 =	simm.s32 $0x108;
	s8 =	sld [smem:$0x3FB3]  }
0x2e: {  	s3 =	simm.s32 @!p0 $0x1082;
	s9 =	sld [smem:$0x3FB4]  }
0x2f: {  	lr =	sadd.s32 s0, s3;
	s0 =	sld [smem:$0x3FAB]  }
0x30: {  	s3 =	sld [smem:$0x3FAE]  }
0x31: {  	[smem:$0x3FB7] =	sst s10  }
0x32: {  	s10 =	sld [smem:$0x3FB5];
	_ =	sdelay $0x3  }
0x33: {  	p0 =	seq.s32 s10, $0x1;
	s10 =	sld [smem:$0x3FB7];
	_ =	sdelay $0x3  }
0x34: {  	[smem:$0x3FB7] =	sst s10  }
0x35: {  	s10 =	sld [smem:$0x3FB6];
	_ =	sdelay $0x3  }
0x36: {  	p1 =	seq.s32 s10, $0x1;
	s10 =	sld [smem:$0x3FB7];
	_ =	sdelay $0x3  }
0x37: {  	[smem:$0x3FB7] =	sst s10  }
0x38: {  	s10 =	sld [smem:$0x3FB8]  }
0x39: {  	_ = 	snop;
	(pc) =	sbr.ind lr, $3  }
0x3a: {  	_ = 	snop  }
0x3b: {  	_ = 	snop  }
0x3c: {  	p2 =	seq.s32 s10, $0x1;
	s10 =	sld [smem:$0x3FB7]  }
0x3d: {  	_ =	shalt  }
0x3e: {  	_ =	shalt  }
0x3f: {  	_ =	shalt  }
0x40: {  	_ =	shalt  }
0x41: {  	_ =	shalt  }
0x42: {  	_ =	shalt  }
0x43: {  	_ =	shalt  }
0x44: {  	_ =	shalt  }
0x45: {  	_ =	shalt  }
0x46: {  	_ =	shalt  }
0x47: {  	_ =	shalt  }
0x48: {  	_ =	shalt  }
0x49: {  	_ =	shalt  }
0x4a: {  	_ =	shalt  }
0x4b: {  	_ =	shalt  }
0x4c: {  	_ =	shalt  }
0x4d: {  	_ =	shalt  }
0x4e: {  	_ =	shalt  }
0x4f: {  	_ =	shalt  }
0x50: {  	_ =	shalt  }
0x51: {  	_ =	shalt  }
0x52: {  	_ =	shalt  }
0x53: {  	_ =	shalt  }
0x54: {  	_ =	shalt  }
0x55: {  	_ =	shalt  }
0x56: {  	_ =	shalt  }
0x57: {  	_ =	shalt  }
0x58: {  	_ =	shalt  }
0x59: {  	_ =	shalt  }
0x5a: {  	_ =	shalt  }
0x5b: {  	_ =	shalt  }
0x5c: {  	_ =	shalt  }
0x5d: {  	_ =	shalt  }
0x5e: {  	_ =	shalt  }
0x5f: {  	_ =	shalt  }
0x60: {  	_ =	shalt  }
0x61: {  	_ =	shalt  }
0x62: {  	_ =	shalt  }
0x63: {  	_ =	shalt  }
0x64: {  	_ =	shalt  }
0x65: {  	_ =	shalt  }
0x66: {  	_ =	shalt  }
0x67: {  	_ =	shalt  }
0x68: {  	_ =	shalt  }
0x69: {  	_ =	shalt  }
0x6a: {  	_ =	shalt  }
0x6b: {  	_ =	shalt  }
0x6c: {  	_ =	shalt  }
0x6d: {  	_ =	shalt  }
0x6e: {  	_ =	shalt  }
0x6f: {  	_ =	shalt  }
0x70: {  	_ =	shalt  }
0x71: {  	_ =	shalt  }
0x72: {  	_ =	shalt  }
0x73: {  	_ =	shalt  }
0x74: {  	_ =	shalt  }
0x75: {  	_ =	shalt  }
0x76: {  	_ =	shalt  }
0x77: {  	_ =	shalt  }
0x78: {  	_ =	shalt  }
0x79: {  	_ =	shalt  }
0x7a: {  	_ =	shalt  }
0x7b: {  	_ =	shalt  }
0x7c: {  	_ =	shalt  }
0x7d: {  	_ =	shalt  }
0x7e: {  	_ =	shalt  }
0x7f: {  	_ =	shalt  }
0x80: {  	_ =	shalt  }
0x81: {  	_ =	shalt  }
0x82: {  	_ =	shalt  }
0x83: {  	_ =	shalt  }
0x84: {  	_ =	shalt  }
0x85: {  	_ =	shalt  }
0x86: {  	_ =	shalt  }
0x87: {  	_ =	shalt  }
.Lfunc_end0:
.L_simem_size_0:
called_computation_lowered:
.L_overlay_start_0:
0x88: {  	s2 =	sld [smem:$0x3FD9]  }
0x89: {  	s3 =	sld [smem:$0x3FFE];
	_ =	sdelay $0x1  }
0x8a: {  	s1 =	srdreg.scid  }
0x8b: {  	s0 =	sand.u32 $0x1, s1  }
0x8c: {  	s16 =	sshll.u32 s0, $0xA;
	s2 =	sadd.s32 s3, s2  }
0x8d: {  	s2 =	sadd.s32 s2, s16  }
0x8e: {  	[smem:$0x3FC3] =	sst s2  }
0x8f: {  	_ = 	snop  }
0x90: {  	(tm) =	ssettm $0x1  }
0x91: {  	s17 =	sld [smem:$0x3FFB];
	_ =	sdelay $0x3  }
0x92: {  	_ =	strace s17  }
0x93: {  	s2 =	sld [smem:$0x3FFC];
	_ =	sdelay $0x3  }
0x94: {  	_ =	strace s2  }
0x95: {  	s2 =	sld [smem:$0x3FFD];
	_ =	sdelay $0x3  }
0x96: {  	_ =	strace s2  }
0x97: {  	_ =	strace $0x8FFFFFFF  }
0x98: {  	s18 =	sld [smem:$0x3FDB];
	_ =	sdelay $0x1  }
0x99: {  	s19 =	simm.s32 $_scs_section_size  }
0x9a: {  	s4 =	simm.s32 $_size__tile_overlayer_lowered;
	s5 =	simm.s32 $_tile_overlayer_lowered  }
0x9b: {  	s22 =	simm.s32 $0x1BFF;
	s21 =	sshll.u32 s5, $0x1;
	s2 =	sadd.s32 s19, s18  }
0x9c: {  	s6 =	simm.s32 $0x0;
	s20 =	sshll.u32 s4, $0x1;
	s4 =	sadd.s32 s21, s2  }
0x9d: {  	[timem:s6], [sflag:s22] =	dma.local [hbm:s4], s20  }
0x9e: {  	_ =	swait.ge [sflag:s22], s20  }
0x9f: {  	s3 =	ssub.s32 $0x0, s20;
	[sflag:s22] =	ssyncset.done $0x0  }
0xa0: {  	[sflag:s22] =	ssyncadd.s32 s3;
	_ =	sdelay $0x1  }
0xa1: {  	s23 =	simm.s32 $0x1B8B  }
0xa2: {  	_ =	swait.ge [sflag:s23], $0x1  }
0xa3: {  	[sflag:s23] =	ssyncset.done $0x0  }
0xa4: {  	s25 =	simm.s32 $0x1B8E;
	s24 =	sld [smem:$0x3FFE];
	[sflag:s23] =	ssyncadd.s32 $0xFFFFFFFF  }
0xa5: {  	s26 =	simm.s32 $execute0_lowered;
	[smem:$0x3FD2] =	sst s25  }
0xa6: {  	s4 =	sshll.u32 s26, $0x1;
	_ =	strace $0x80000049;
	[dreg:$0x1] =	wrdreg $0xFFFFFFFF  }
0xa7: {  	s28 =	simm.s32 $_size_execute0_lowered;
	s2 =	sadd.s32 s2, s4;
	[dreg:$0x0] =	wrdreg $0x0  }
0xa8: {  	s4 =	sshll.u32 s28, $0x1;
	[dreg:$0x2] =	wrdreg s2  }
0xa9: {  	[dreg:$0x3] =	wrdreg s4  }
0xaa: {  	[dreg:$0x4] =	wrdreg $0xC0  }
0xab: {  	_ =	task [dreg:s6], $0x5FFFF  }
0xac: {  	[dreg:$0x1] =	wrdreg $0xFFFFFFFF  }
0xad: {  	[dreg:$0x0] =	wrdreg $0x60  }
0xae: {  	[dreg:$0x2] =	wrdreg s24  }
0xaf: {  	[dreg:$0x3] =	wrdreg $0x9  }
0xb0: {  	_ =	task.clear_ibuf [dreg:s6], $0x4FFFF;
	_ =	strace $0x90000049  }
0xb1: {  	s29 =	simm.s32 $0x9;
	_ =	strace $0x8000004B  }
0xb2: {  	_ =	swait.ge [sflag:s29], $0x1  }
0xb3: {  	[sflag:s29] =	ssyncadd.s32 $0xFFFFFFFF  }
0xb4: {  	_ =	strace $0x9000004B  }
0xb5: {  	_ =	sfence  }
0xb6: {  	s30 =	sld [smem:$0x0];
	_ =	sdelay $0x2  }
0xb7: {  	s31 =	sshll.u32 s1, $0xD;
	s1 =	sshrl.u32 s1, $0x2  }
0xb8: {  	s3 =	sand.u32 $0x4000, s31;
	s1 =	sadd.s32 s1, s30  }
0xb9: {  	s0 =	sor.u32 s3, s0;
	s1 =	sshll.u32 s1, $0x11  }
0xba: {  	s0 =	sor.u32 s1, s0  }
0xbb: {  	s0 =	sadd.s32 $0x8F2B, s0  }
0xbc: {  	[sflag:s0] =	ssyncadd.remote.s32 $0x1  }
0xbd: {  	_ =	sfence.sel $0xFFFF  }
0xbe: {  	[dreg:$0x0] =	wrdreg $0xFFFFFFFF;
	(pc) =	sbr.abs _section_cstart, $3  }
0xbf: {  	[dreg:$0x1] =	wrdreg $0xFFFFFFFF  }
0xc0: {  	_ =	task.clear_ibuf [dreg:s6], $0x2FFFF;
	_ =	strace $0x9FFFFFFF  }
0xc1: {  	(tm) =	ssettm $0x7FFFFFFF  }
tec
execute0_lowered:
.L_overlay_start_1:
0x0: {  	(tag) =	ssettag $0x1  }
0x1: {  	s2 =	rddreg [dreg:$0x0]  }
0x2: {  	s0 =	rddreg [dreg:$0x1]  }
0x3: {  	s1 =	srdreg.scid;
	_ =	strace $0x8000004A;
	s4 =	simm.s32 $0x1  }
0x4: {  	s9 =	simm.s32 $0x3;
	s11 =	simm.s32 $0x0;
	s5 =	sshll.u32 s1, $0x4  }
.Ltmp0:
0x5: {  	s1 =	stileid.u32;
	s5 =	sand.u32 $0x10, s5;
	(pc) =	sbr.rel .LBB2_1-.Ltmp0, $4  }
0x6: {  	p0 =	por $0x0, $0x0;
	s3 =	sadd.s32 $0x284800, s2;
	s6 =	sor.u32 s1, s5  }
0x7: {  	[sflag:s4] =	ssyncpa.u1 $0x0;
	s5 =	simm.s32 $0x2;
	s6 =	sshll.u32 s6, $0x7  }
0x8: {  	s7 =	sadd.s32 $0x284C00, s2;
	[sflag:s5] =	ssyncpa.u1 $0x0;
	s8 =	sadd.s32 $0x80, s6  }
0x9: {  	vm0 =	vmmov $0xff;
	vm1 =	vcmask $0x3F20;
	[sflag:s9] =	ssyncpa.u1 $0x0;
	s10 =	smov.u32 s6;
	s9 =	simm.s32 $0x0  }
.LBB2_5:
0xa: {  	p1 =	slt.u32 s9, $0x2;
	s11 =	sadd.s32 $0x10, s10  }
0xb: {  	s13 =	smov.u32 s6;
	s9 =	sadd.s32 $0x1, s9;
	p2 =	slt.s32 s11, s8  }
0xc: {  	s13 =	smov.u32 @p2 s11;
	p2 =	sne.s32 s9, $0xA  }
.Ltmp1:
0xd: {  	_ = 	snop;
	(pc) =	sbr.rel @!p2 .LBB2_6-.Ltmp1, $4  }
0xe: {  	s12 =	simm.s32 @!p1 $0x3  }
0xf: {  	_ =	swait.ge @!p1 [sflag:s12], $0x8000  }
0x10: {  	p0 =	por !p0, !p0;
	[sflag:s12] =	ssyncset.done @!p1 $0x0  }
0x11: {  	s11 =	smov.u32 s10;
	s10 =	smov.u32 s13;
	[sflag:s12] =	ssyncadd.s32 @!p1 $0xFFFF8000  }
.LBB2_1:
0x12: {  	p1 =	sgt.u32 s9, $0x7  }
0x13: {  	s12 =	sxor.u32 @!p1 $0xFFFFFFFF, s9  }
0x14: {  	s13 =	sshrl.u32 @!p1 s10, $0x3;
	s12 =	sshll.u32 @!p1 s12, $0x4  }
0x15: {  	s14 =	sand.u32 @!p1 $0x7, s10;
	s13 =	sadd.s32 @!p1 s3, s13;
	s12 =	sand.u32 @!p1 $0x10, s12  }
0x16: {  	[tilespmem:s12], [sflag:$0x2] =	stream.linear.gather @!p1 [hbm4b:s13+s14], $0x10, $0x38;
	[tilespmem:$0x10020] =	vst v63  }
0x17: {  	p1 =	seq.s32 s9, $0x0  }
0x18: {  	p2 =	seq.s32 @!p1 s9, $0x9  }
0x19: {  	p1 =	por p1, p2  }
.Ltmp2:
0x1a: {  	_ = 	snop;
	(pc) =	sbr.rel @p1 .LBB2_5-.Ltmp2, $1  }
0x1b: {  	_ =	sdelay $0x3  }
0x1c: {  	_ =	swait.ge [sflag:s5], $0x10  }
0x1d: {  	s12 =	sand.u32 $0x1, s9;
	[sflag:s5] =	ssyncset.done $0x0  }
0x1e: {  	s13 =	sshll.u32 s12, $0x4;
	[sflag:s5] =	ssyncadd.s32 $0xFFFFFFF0  }
0x1f: {  	v0 =	vld.msk [tilespmem:s13+$0x0 ss:$0x1], $0xffff;
	_ =	sdelay $0x4  }
0x20: {  	vm2 =	vgt.s32 v0, $0x0  }
0x21: {  	v0 =	vnsel vm2, $0x0, v0  }
0x22: {  	v0 =	vmin.u32 v0, $0x27FF  }
0x23: {  	v1 =	vshll.u32 v0, $0x8;
	v0 =	vshll.u32 v0, $0x4  }
0x24: {  	v1 =	vand.u32 $0x3FF800, v1;
	v0 =	vand.u32 $0x70, v0  }
0x25: {  	s13 =	simm.s32 $0x1;
	v0 =	vor.u32 v0, v1  }
0x26: {  	s13 =	simm.s32 @!p0 $0x0  }
0x27: {  	s13 =	sshll.u32 s13, $0xF  }
0x28: {  	s14 =	sor.u32 $0x20, s13  }
0x29: {  	s12 =	sshll.u32 s12, $0xF;
	s16 =	sadd.s32 $0x0, s14  }
0x2a: {  	[tilespmem:s16], [sflag:$0x1] =	stream.indirect_vreg.gather [hbm:s2], $0x80, v0, vm0, $0x38;
	[tilespmem:$0x10020] =	vst v63  }
0x2b: {  	s15 =	simm.s32 $0x1000;
	s13 =	sor.u32 $0x20, s12;
	v1 =	vadd.s32 $0x80, v0;
	s16 =	sadd.s32 $0x4000, s16  }
.LBB2_3:
0x2c: {  	[tilespmem:s16], [sflag:$0x1] =	stream.indirect_vreg.gather [hbm:s2], $0x80, v0, vm1, $0x38;
	[tilespmem:$0x10020] =	vst v63  }
0x2d: {  	v0 =	vmov v1;
	s16 =	smov.u32 s15;
	p1 =	sne.s32 s15, $0xF000  }
.Ltmp3:
0x2e: {  	s15 =	sadd.s32 $0x1000, s15;
	(pc) =	sbr.rel @p1 .LBB2_3-.Ltmp3, $4  }
0x2f: {  	s16 =	sshra.s32 s16, $0x2  }
0x30: {  	s16 =	sadd.s32 s16, s14  }
0x31: {  	[tilespmem:s16], [sflag:$0x1] =	stream.indirect_vreg.gather [hbm:s2], $0x80, v1, vm0, $0x38;
	[tilespmem:$0x10020] =	vst v63  }
0x32: {  	s16 =	sadd.s32 $0x4000, s16;
	v1 =	vadd.s32 $0x80, v1  }
0x33: {  	_ =	sdelay $0x3  }
0x34: {  	[tilespmem:s16], [sflag:$0x1] =	stream.indirect_vreg.gather [hbm:s2], $0x80, v0, vm1, $0x38;
	[tilespmem:$0x10020] =	vst v63  }
0x35: {  	s14 =	sshll.u32 s11, $0x4;
	s31 =	sshll.u32 s11, $0x8  }
0x36: {  	_ =	swait.ge [sflag:s4], $0x8000;
	s14 =	sand.u32 $0x70, s14;
	s11 =	sand.u32 $0xFFFFF800, s31  }
.Ltmp4:
0x37: {  	[sflag:s4] =	ssyncset.done $0x0;
	s14 =	sadd.s32 s7, s14;
	(pc) =	sbr.rel .LBB2_5-.Ltmp4, $4  }
0x38: {  	[sflag:s4] =	ssyncadd.s32 $0xFFFF8000;
	s11 =	sadd.s32 s11, s14  }
0x39: {  	[hbm:s11] =	stream.linear.scatter [tilespmem:s13], [sflag:$0x3], $0x4000, $0x38;
	[tilespmem:$0x10020] =	vst v63  }
0x3a: {  	s12 =	sadd.s32 $0x4020, s12;
	s11 =	sadd.s32 $0x800, s11  }
0x3b: {  	[hbm:s11] =	stream.linear.scatter [tilespmem:s12], [sflag:$0x3], $0x4000, $0x38;
	[tilespmem:$0x10020] =	vst v63  }
.LBB2_6:
0x3c: {  	_ =	sfence.sel $0x180000  }
0x3d: {  	s2 =	simm.s32 $0x2;
	[bflag:$0x0] =	sbarrier.arrive $0xFFFF  }
0x3e: {  	s30 =	simm.s32 $0x3;
	[sflag:s2] =	ssyncpa.u1 $0x1  }
0x3f: {  	s31 =	simm.s32 $0x1;
	[sflag:s30] =	ssyncpa.u1 $0x1  }
0x40: {  	[sflag:s31] =	ssyncpa.u1 $0x1  }
0x41: {  	p0 =	sne.s32 s1, $0x0;
	_ =	strace $0x9000004A  }
0x42: {  	s0 =	sadd.s32 @!p0 $0x100000, s0;
	[bflag:$0x2] =	sbarrier.arrive $0xFFFF  }
0x43: {  	[sflag:s0] =	ssyncadd.tile.s32 @!p0 $0x1;
	_ =	shalt  }
.Lfunc_end2:
_tile_overlayer_lowered:
.L_overlay_start_2:
0x44: {  	(tag) =	ssettag $0x2  }
0x45: {  	s0 =	rddreg [dreg:$0x0];
	s2 =	stileid.u32  }
0x46: {  	s1 =	rddreg [dreg:$0x1];
	p0 =	sne.s32 s2, $0x0  }
0x47: {  	s3 =	rddreg [dreg:$0x2];
	[bflag:$0x3] =	sbarrier.arrive $0xFFFF;
	s2 =	simm.s32 @!p0 $0x1C01  }
0x48: {  	[timem:s3], [sflag:s2] =	dma.local @!p0 [hbm:s0], s1  }
0x49: {  	s0 =	simm.s32 @!p0 $0x1  }
0x4a: {  	_ =	swait.ge @!p0 [sflag:s0], s1  }
0x4b: {  	s1 =	ssub.s32 @!p0 $0x0, s1;
	[sflag:s0] =	ssyncset.done @!p0 $0x0  }
0x4c: {  	[sflag:s0] =	ssyncadd.s32 @!p0 s1  }
0x4d: {  	[bflag:$0x3] =	sbarrier.arrive $0xFFFF  }
0x4e: {  	_ =	shalt  }

// kernel: kernel.5.cloned.1.call-start
scs
__scs_entry_jumppad:
0x0: {  	(pc) =	sbr.rel $0x88, $3  }
0x1: {  	(tag) =	ssettag $0x0;
	lr =	simm.s32 $0x1  }
0x2: {  	[smem:$0x3F9C] =	sst lr;
	_ =	strace $0xD0000000  }
0x3: {  	_ = 	snop  }
0x4: {  	_ = 	snop  }
0x5: {  	_ = 	snop  }
0x6: {  	_ = 	snop  }
0x7: {  	_ = 	snop  }
__scs_overlays_trampoline_lowered:
0x8: {  	[smem:$0x3FAB] =	sst s0  }
0x9: {  	[smem:$0x3FAC] =	sst s1  }
0xa: {  	[smem:$0x3FAD] =	sst s2  }
0xb: {  	[smem:$0x3FAE] =	sst s3  }
0xc: {  	[smem:$0x3FAF] =	sst s4  }
0xd: {  	[smem:$0x3FB0] =	sst s5  }
0xe: {  	[smem:$0x3FB1] =	sst s6  }
0xf: {  	[smem:$0x3FB2] =	sst s7  }
0x10: {  	[smem:$0x3FB3] =	sst s8  }
0x11: {  	[smem:$0x3FB4] =	sst s9;
	s0 =	simm.s32 @!p0 $0x0  }
0x12: {  	s1 =	sld [smem:$0x3F9A];
	s0 =	simm.s32 @p0 $0x1  }
0x13: {  	[smem:$0x3FB5] =	sst s0;
	s0 =	simm.s32 @!p1 $0x0  }
0x14: {  	s2 =	sld [smem:$0x3F99];
	s0 =	simm.s32 @p1 $0x1  }
0x15: {  	[smem:$0x3FB6] =	sst s0;
	s0 =	simm.s32 @!p2 $0x0  }
0x16: {  	s3 =	sld [smem:$0x3FDB];
	s0 =	simm.s32 @p2 $0x1  }
0x17: {  	s4 =	simm.s32 $0x1BF5;
	[smem:$0x3FB8] =	sst s0  }
0x18: {  	s0 =	sld [smem:$0x3F9B];
	_ =	swait.ge [sflag:s4], $0x0  }
0x19: {  	s7 =	sld [smem:$0x3F9C]  }
0x1a: {  	s8 =	sadd.s32 $0xFFFFE003, lr  }
0x1b: {  	s9 =	sadd.s32 $0xFFFFFEF7, lr;
	s5 =	simm.s32 $0xFFFFFFFF;
	p2 =	slt.u32 s8, $0xFFFFF086  }
0x1c: {  	p1 =	slt.u32 s9, $0xF7A;
	s5 =	simm.s32 @!p2 $0x0  }
0x1d: {  	s5 =	simm.s32 @p1 $0x1;
	p0 =	seq.s32 s7, s2  }
0x1e: {  	s7 =	smul.u32 @!p0 $0xF7A, s2;
	p2 =	seq.s32 @!p0 s5, $0x0  }
0x1f: {  	s9 =	smul.u32 $0xF7A, s1;
	s8 =	simm.s32 @!p0 $0x1BF5;
	p2 =	por !p2, p0  }
0x20: {  	[sflag:s8] =	ssyncset.s32 @!p0 $0xFFFFF086;
	s6 =	sadd.s32 @!p0 s3, s7;
	s7 =	simm.s32 @!p0 $0x108  }
0x21: {  	s3 =	sadd.s32 s3, s9;
	s6 =	sadd.s32 @!p0 $0x88, s6;
	s7 =	simm.s32 @p2 $0x1082  }
0x22: {  	[simem:s7], [sflag:s8] =	dma.local @!p0 [hbm:s6], $0xF7A  }
0x23: {  	s9 =	sor.u32 $0xD0000000, s2;
	s6 =	simm.s32 $0x108;
	_ =	swait.ge @!p0 [sflag:s8], $0x0  }
0x24: {  	s3 =	sadd.s32 $0x88, s3;
	s6 =	simm.s32 @!p1 $0x1082;
	[sflag:s4] =	ssyncset.s32 $0xFFFFF086  }
0x25: {  	[simem:s6], [sflag:s4] =	dma.local [hbm:s3], $0xF7A  }
0x26: {  	[smem:$0x3F9C] =	sst s1;
	(tag) =	ssettag s2;
	_ =	strace s9  }
0x27: {  	s1 =	sld [smem:$0x3FAC]  }
0x28: {  	s2 =	sld [smem:$0x3FAD]  }
0x29: {  	s4 =	sld [smem:$0x3FAF]  }
0x2a: {  	p0 =	seq.s32 s5, $0x0;
	s5 =	sld [smem:$0x3FB0]  }
0x2b: {  	s6 =	sld [smem:$0x3FB1]  }
0x2c: {  	s7 =	sld [smem:$0x3FB2]  }
0x2d: {  	s3 =	simm.s32 $0x108;
	s8 =	sld [smem:$0x3FB3]  }
0x2e: {  	s3 =	simm.s32 @!p0 $0x1082;
	s9 =	sld [smem:$0x3FB4]  }
0x2f: {  	lr =	sadd.s32 s0, s3;
	s0 =	sld [smem:$0x3FAB]  }
0x30: {  	s3 =	sld [smem:$0x3FAE]  }
0x31: {  	[smem:$0x3FB7] =	sst s10  }
0x32: {  	s10 =	sld [smem:$0x3FB5];
	_ =	sdelay $0x3  }
0x33: {  	p0 =	seq.s32 s10, $0x1;
	s10 =	sld [smem:$0x3FB7];
	_ =	sdelay $0x3  }
0x34: {  	[smem:$0x3FB7] =	sst s10  }
0x35: {  	s10 =	sld [smem:$0x3FB6];
	_ =	sdelay $0x3  }
0x36: {  	p1 =	seq.s32 s10, $0x1;
	s10 =	sld [smem:$0x3FB7];
	_ =	sdelay $0x3  }
0x37: {  	[smem:$0x3FB7] =	sst s10  }
0x38: {  	s10 =	sld [smem:$0x3FB8]  }
0x39: {  	_ = 	snop;
	(pc) =	sbr.ind lr, $3  }
0x3a: {  	_ = 	snop  }
0x3b: {  	_ = 	snop  }
0x3c: {  	p2 =	seq.s32 s10, $0x1;
	s10 =	sld [smem:$0x3FB7]  }
0x3d: {  	_ =	shalt  }
0x3e: {  	_ =	shalt  }
0x3f: {  	_ =	shalt  }
0x40: {  	_ =	shalt  }
0x41: {  	_ =	shalt  }
0x42: {  	_ =	shalt  }
0x43: {  	_ =	shalt  }
0x44: {  	_ =	shalt  }
0x45: {  	_ =	shalt  }
0x46: {  	_ =	shalt  }
0x47: {  	_ =	shalt  }
0x48: {  	_ =	shalt  }
0x49: {  	_ =	shalt  }
0x4a: {  	_ =	shalt  }
0x4b: {  	_ =	shalt  }
0x4c: {  	_ =	shalt  }
0x4d: {  	_ =	shalt  }
0x4e: {  	_ =	shalt  }
0x4f: {  	_ =	shalt  }
0x50: {  	_ =	shalt  }
0x51: {  	_ =	shalt  }
0x52: {  	_ =	shalt  }
0x53: {  	_ =	shalt  }
0x54: {  	_ =	shalt  }
0x55: {  	_ =	shalt  }
0x56: {  	_ =	shalt  }
0x57: {  	_ =	shalt  }
0x58: {  	_ =	shalt  }
0x59: {  	_ =	shalt  }
0x5a: {  	_ =	shalt  }
0x5b: {  	_ =	shalt  }
0x5c: {  	_ =	shalt  }
0x5d: {  	_ =	shalt  }
0x5e: {  	_ =	shalt  }
0x5f: {  	_ =	shalt  }
0x60: {  	_ =	shalt  }
0x61: {  	_ =	shalt  }
0x62: {  	_ =	shalt  }
0x63: {  	_ =	shalt  }
0x64: {  	_ =	shalt  }
0x65: {  	_ =	shalt  }
0x66: {  	_ =	shalt  }
0x67: {  	_ =	shalt  }
0x68: {  	_ =	shalt  }
0x69: {  	_ =	shalt  }
0x6a: {  	_ =	shalt  }
0x6b: {  	_ =	shalt  }
0x6c: {  	_ =	shalt  }
0x6d: {  	_ =	shalt  }
0x6e: {  	_ =	shalt  }
0x6f: {  	_ =	shalt  }
0x70: {  	_ =	shalt  }
0x71: {  	_ =	shalt  }
0x72: {  	_ =	shalt  }
0x73: {  	_ =	shalt  }
0x74: {  	_ =	shalt  }
0x75: {  	_ =	shalt  }
0x76: {  	_ =	shalt  }
0x77: {  	_ =	shalt  }
0x78: {  	_ =	shalt  }
0x79: {  	_ =	shalt  }
0x7a: {  	_ =	shalt  }
0x7b: {  	_ =	shalt  }
0x7c: {  	_ =	shalt  }
0x7d: {  	_ =	shalt  }
0x7e: {  	_ =	shalt  }
0x7f: {  	_ =	shalt  }
0x80: {  	_ =	shalt  }
0x81: {  	_ =	shalt  }
0x82: {  	_ =	shalt  }
0x83: {  	_ =	shalt  }
0x84: {  	_ =	shalt  }
0x85: {  	_ =	shalt  }
0x86: {  	_ =	shalt  }
0x87: {  	_ =	shalt  }
.Lfunc_end0:
.L_simem_size_0:
called_computation.2_lowered:
.L_overlay_start_0:
0x88: {  	s2 =	sld [smem:$0x3FD9]  }
0x89: {  	s3 =	sld [smem:$0x3FFE];
	_ =	sdelay $0x1  }
0x8a: {  	s1 =	srdreg.scid  }
0x8b: {  	s0 =	sand.u32 $0x1, s1  }
0x8c: {  	s17 =	sshll.u32 s0, $0xA;
	s2 =	sadd.s32 s3, s2  }
0x8d: {  	s2 =	sadd.s32 s2, s17  }
0x8e: {  	[smem:$0x3FC3] =	sst s2  }
0x8f: {  	_ = 	snop  }
0x90: {  	s2 =	sld [smem:$0x3FC9]  }
0x91: {  	s18 =	sld [smem:$0x3FD0];
	(tm) =	ssettm $0x1  }
0x92: {  	s4 =	sld [smem:$0x3FFB];
	_ =	sdelay $0x3  }
0x93: {  	_ =	strace s4  }
0x94: {  	s4 =	sld [smem:$0x3FFC];
	_ =	sdelay $0x3  }
0x95: {  	_ =	strace s4  }
0x96: {  	s4 =	sld [smem:$0x3FFD];
	_ =	sdelay $0x3  }
0x97: {  	_ =	strace s4  }
0x98: {  	_ =	strace $0x8FFFFFFF  }
0x99: {  	s19 =	sld [smem:$0x3FDB];
	_ =	sdelay $0x1  }
0x9a: {  	s5 =	simm.s32 $_scs_section_size  }
0x9b: {  	s6 =	simm.s32 $_size__tile_overlayer_lowered;
	s7 =	simm.s32 $_tile_overlayer_lowered  }
0x9c: {  	s22 =	simm.s32 $0x1BFF;
	s21 =	sshll.u32 s7, $0x1;
	s4 =	sadd.s32 s5, s19  }
0x9d: {  	s8 =	simm.s32 $0x0;
	s20 =	sshll.u32 s6, $0x1;
	s6 =	sadd.s32 s21, s4  }
0x9e: {  	[timem:s8], [sflag:s22] =	dma.local [hbm:s6], s20  }
0x9f: {  	_ =	swait.ge [sflag:s22], s20  }
0xa0: {  	s5 =	ssub.s32 $0x0, s20;
	[sflag:s22] =	ssyncset.done $0x0  }
0xa1: {  	[sflag:s22] =	ssyncadd.s32 s5;
	_ =	sdelay $0x1  }
0xa2: {  	s23 =	simm.s32 $0x1B8B  }
0xa3: {  	_ =	swait.ge [sflag:s23], $0x1  }
0xa4: {  	[sflag:s23] =	ssyncset.done $0x0  }
0xa5: {  	s25 =	simm.s32 $0x1B8E;
	s24 =	sld [smem:$0x3FFE];
	[sflag:s23] =	ssyncadd.s32 $0xFFFFFFFF  }
0xa6: {  	s26 =	simm.s32 $execute0_lowered;
	[smem:$0x3FD2] =	sst s25  }
0xa7: {  	s6 =	sshll.u32 s26, $0x1;
	_ =	strace $0x80000046;
	[dreg:$0x1] =	wrdreg $0xFFFFFFFF  }
0xa8: {  	s28 =	simm.s32 $_size_execute0_lowered;
	s4 =	sadd.s32 s4, s6;
	[dreg:$0x0] =	wrdreg $0x0  }
0xa9: {  	s6 =	sshll.u32 s28, $0x1;
	[dreg:$0x2] =	wrdreg s4  }
0xaa: {  	[dreg:$0x3] =	wrdreg s6  }
0xab: {  	[dreg:$0x4] =	wrdreg $0xC0  }
0xac: {  	_ =	task [dreg:s8], $0x5FFFF  }
0xad: {  	[dreg:$0x1] =	wrdreg $0xFFFFFFFF  }
0xae: {  	[dreg:$0x0] =	wrdreg $0x60  }
0xaf: {  	[dreg:$0x2] =	wrdreg s2  }
0xb0: {  	[dreg:$0x3] =	wrdreg s18  }
0xb1: {  	[dreg:$0x4] =	wrdreg s24  }
0xb2: {  	[dreg:$0x5] =	wrdreg $0x9  }
0xb3: {  	_ =	task.clear_ibuf [dreg:s8], $0x6FFFF;
	_ =	strace $0x90000046  }
0xb4: {  	s29 =	simm.s32 $0x9;
	_ =	strace $0x80000048  }
0xb5: {  	_ =	swait.ge [sflag:s29], $0x1  }
0xb6: {  	[sflag:s29] =	ssyncadd.s32 $0xFFFFFFFF  }
0xb7: {  	_ =	strace $0x90000048  }
0xb8: {  	_ =	sfence  }
0xb9: {  	s30 =	sld [smem:$0x0];
	_ =	sdelay $0x2  }
0xba: {  	s31 =	sshll.u32 s1, $0xD;
	s1 =	sshrl.u32 s1, $0x2  }
0xbb: {  	s3 =	sand.u32 $0x4000, s31;
	s1 =	sadd.s32 s1, s30  }
0xbc: {  	s0 =	sor.u32 s3, s0;
	s1 =	sshll.u32 s1, $0x11  }
0xbd: {  	s0 =	sor.u32 s1, s0  }
0xbe: {  	s0 =	sadd.s32 $0x8F2B, s0  }
0xbf: {  	[sflag:s0] =	ssyncadd.remote.s32 $0x1  }
0xc0: {  	_ =	sfence.sel $0xFFFF  }
0xc1: {  	[dreg:$0x0] =	wrdreg $0xFFFFFFFF;
	(pc) =	sbr.abs _section_cstart, $3  }
0xc2: {  	[dreg:$0x1] =	wrdreg $0xFFFFFFFF  }
0xc3: {  	_ =	task.clear_ibuf [dreg:s8], $0x2FFFF;
	_ =	strace $0x9FFFFFFF  }
0xc4: {  	(tm) =	ssettm $0x7FFFFFFF  }
0xc5: {  	_ =	shalt  }
tec
execute0_lowered:
.L_overlay_start_1:
0x0: {  	(tag) =	ssettag $0x1  }
0x1: {  	s1 =	rddreg [dreg:$0x0]  }
0x2: {  	s0 =	rddreg [dreg:$0x1]  }
0x3: {  	s3 =	rddreg [dreg:$0x2];
	s2 =	simm.s32 $0x0;
	s4 =	srdreg.scid  }
0x4: {  	s7 =	stileid.u32;
	s22 =	simm.s32 $0xE000;
	s24 =	simm.s32 $0xE800  }
0x5: {  	s28 =	simm.s32 $0x10000;
	s29 =	simm.s32 $0x10800;
	s30 =	simm.s32 $0x11000  }
0x6: {  	[smem:$0x7FF] =	sst s2;
	s4 =	sand.u32 $0x1, s4;
	s7 =	sshll.u32 s7, $0xA  }
0x7: {  	s9 =	sadd.s32 $0x300, s1;
	s10 =	sadd.s32 $0x400, s1;
	s11 =	sadd.s32 $0x500, s1  }
0x8: {  	s12 =	sadd.s32 $0x600, s1;
	s13 =	sadd.s32 $0x700, s1;
	s14 =	sadd.s32 $0x4100, s3  }
0x9: {  	s15 =	sadd.s32 $0x4200, s3;
	s16 =	sadd.s32 $0x4300, s3;
	s17 =	sadd.s32 $0x4400, s3  }
0xa: {  	s18 =	sadd.s32 $0x4500, s3;
	s19 =	sadd.s32 $0x4600, s3;
	s20 =	sadd.s32 $0x4700, s3  }
0xb: {  	_ =	strace $0x80000047;
	s5 =	ssub.s32 $0x2, s4;
	s8 =	sshll.u32 s4, $0x9  }
0xc: {  	s4 =	sadd.s32 $0x4000, s3;
	s6 =	sshrl.u32 s5, $0x1;
	s25 =	sor.u32 s8, s7  }
.Ltmp0:
0xd: {  	s7 =	sadd.s32 $0x100, s1;
	s8 =	sadd.s32 $0x200, s1;
	(pc) =	sbr.rel .LBB2_1-.Ltmp0, $4  }
0xe: {  	s5 =	ssub.s32 s5, s6;
	s0 =	sadd.s32 s0, s25;
	s26 =	sadd.s32 s3, s25  }
0xf: {  	v0 =	vlaneseq.u32;
	s25 =	simm.s32 $0xF000;
	s3 =	simm.s32 $0x8;
	[dreg:$0x4] =	wrdreg s0  }
0x10: {  	v1 =	vshrl.u32 v0, $0x3;
	s6 =	simm.s32 $0x0;
	[dreg:$0x5] =	wrdreg s26;
	s31 =	smax.u32 s5, $0x1  }
0x11: {  	vm0 =	vmmov $0xffff;
	v0 =	vand.u32 $0x7, v0;
	v1 =	vmul.u32 $0x8, v1;
	s26 =	simm.s32 $0xF800;
	s0 =	simm.s32 $0x11800;
	[dreg:$0x6] =	wrdreg s31  }
.LBB2_4:
0x12: {  	s5 =	simm.s32 $0x5  }
0x13: {  	_ =	swait.ge [sflag:s5], $0x4000  }
0x14: {  	[sflag:s5] =	ssyncset.done $0x0  }
0x15: {  	s21 =	simm.s32 $0x6;
	[sflag:s5] =	ssyncadd.s32 $0xFFFFC000  }
0x16: {  	_ =	swait.ge [sflag:s21], $0x4000  }
0x17: {  	[sflag:s21] =	ssyncset.done $0x0  }
0x18: {  	s23 =	simm.s32 $0x7;
	[sflag:s21] =	ssyncadd.s32 $0xFFFFC000  }
0x19: {  	_ =	swait.ge [sflag:s23], $0x4000  }
0x1a: {  	[sflag:s23] =	ssyncset.done $0x0  }
0x1b: {  	[sflag:s23] =	ssyncadd.s32 $0xFFFFC000  }
0x1c: {  	_ =	swait.ge [sflag:s3], $0x4000  }
0x1d: {  	s6 =	rddreg [dreg:$0x7]  }
0x1e: {  	s31 =	rddreg [dreg:$0x6];
	s6 =	sadd.s32 $0x1, s6  }
0x1f: {  	p0 =	sne.s32 s6, s31  }
.Ltmp1:
0x20: {  	_ = 	snop;
	(pc) =	sbr.rel @!p0 .LBB2_5-.Ltmp1, $3  }
0x21: {  	_ =	sdelay $0x1  }
0x22: {  	[sflag:s3] =	ssyncset.done $0x0  }
0x23: {  	[sflag:s3] =	ssyncadd.s32 $0xFFFFC000  }
.LBB2_1:
0x24: {  	[dreg:$0x7] =	wrdreg s6  }
0x25: {  	s5 =	rddreg [dreg:$0x4];
	s6 =	simm.s32 $0x9  }
0x26: {  	[tilespmem:s2], [sflag:$0x9] =	stream.linear.gather [hbm4b:s5+s2], $0x1000, $0x38;
	[tilespmem:$0x12000] =	vst v63  }
0x27: {  	_ =	swait.ge [sflag:s6], $0x1000  }
0x28: {  	[sflag:s6] =	ssyncset.done $0x0  }
0x29: {  	s21 =	simm.s32 $0x1000;
	s23 =	rddreg [dreg:$0x5];
	[sflag:s6] =	ssyncadd.s32 $0xFFFFF000  }
0x2a: {  	[tilespmem:s21], [sflag:$0x9] =	stream.linear.gather [hbm4b:s23+s2], $0x1000, $0x38;
	[tilespmem:$0x12000] =	vst v63  }
0x2b: {  	_ =	swait.ge [sflag:s6], $0x1000  }
0x2c: {  	[sflag:s6] =	ssyncset.done $0x0  }
0x2d: {  	[sflag:s6] =	ssyncadd.s32 $0xFFFFF000  }
0x2e: {  	v2 =	vld.msk [tilespmem:$0x0], $0xff;
	_ =	sdelay $0x4  }
0x2f: {  	v3 =	vshll.u32 v2, $0x4  }
0x30: {  	v2 =	vand.u32 $0x7, v2;
	v3 =	vand.u32 $0xFFFFFF80, v3  }
0x31: {  	v2 =	vor.u32 v2, v3  }
0x32: {  	v2 =	vperm.xlane v2, v0;
	_ =	sdelay $0x1  }
0x33: {  	v2 =	vadd.s32 v1, v2;
	_ =	sdelay $0x3  }
0x34: {  	s6 =	simm.s32 $0x2000  }
0x35: {  	[tilespmem:s6], [sflag:$0x1] =	stream.indirect_vreg.gather [hbm4b:s1+s2], $0x80, v2, vm0, $0xb8;
	[tilespmem:$0x12000] =	vst v63  }
0x36: {  	s21 =	simm.s32 $0x2800  }
0x37: {  	[tilespmem:s21], [sflag:$0x1] =	stream.indirect_vreg.gather [hbm4b:s7+s2], $0x80, v2, vm0, $0xb8;
	[tilespmem:$0x12000] =	vst v63  }
0x38: {  	s23 =	simm.s32 $0x3000  }
0x39: {  	[tilespmem:s23], [sflag:$0x1] =	stream.indirect_vreg.gather [hbm4b:s8+s2], $0x80, v2, vm0, $0xb8;
	[tilespmem:$0x12000] =	vst v63  }
0x3a: {  	s6 =	simm.s32 $0x3800  }
0x3b: {  	[tilespmem:s6], [sflag:$0x1] =	stream.indirect_vreg.gather [hbm4b:s9+s2], $0x80, v2, vm0, $0xb8;
	[tilespmem:$0x12000] =	vst v63  }
0x3c: {  	s21 =	simm.s32 $0x4000  }
0x3d: {  	[tilespmem:s21], [sflag:$0x1] =	stream.indirect_vreg.gather [hbm4b:s10+s2], $0x80, v2, vm0, $0xb8;
	[tilespmem:$0x12000] =	vst v63  }
0x3e: {  	s23 =	simm.s32 $0x4800  }
0x3f: {  	[tilespmem:s23], [sflag:$0x1] =	stream.indirect_vreg.gather [hbm4b:s11+s2], $0x80, v2, vm0, $0xb8;
	[tilespmem:$0x12000] =	vst v63  }
0x40: {  	s6 =	simm.s32 $0x5000  }
0x41: {  	[tilespmem:s6], [sflag:$0x1] =	stream.indirect_vreg.gather [hbm4b:s12+s2], $0x80, v2, vm0, $0xb8;
	[tilespmem:$0x12000] =	vst v63  }
0x42: {  	s21 =	simm.s32 $0x5800  }
0x43: {  	[tilespmem:s21], [sflag:$0x1] =	stream.indirect_vreg.gather [hbm4b:s13+s2], $0x80, v2, vm0, $0xb8;
	[tilespmem:$0x12000] =	vst v63  }
0x44: {  	v2 =	vld.msk [tilespmem:$0x80], $0xff;
	_ =	sdelay $0x4  }
0x45: {  	v3 =	vshll.u32 v2, $0x4  }
0x46: {  	v2 =	vand.u32 $0x7, v2;
	v3 =	vand.u32 $0xFFFFFF80, v3  }
0x47: {  	v2 =	vor.u32 v2, v3  }
0x48: {  	v2 =	vperm.xlane v2, v0;
	_ =	sdelay $0x1  }
0x49: {  	v2 =	vadd.s32 v1, v2;
	_ =	sdelay $0x3  }
0x4a: {  	s23 =	simm.s32 $0x6000  }
0x4b: {  	[tilespmem:s23], [sflag:$0x2] =	stream.indirect_vreg.gather [hbm4b:s1+s2], $0x80, v2, vm0, $0xb8;
	[tilespmem:$0x12000] =	vst v63  }
0x4c: {  	s6 =	simm.s32 $0x6800  }
0x4d: {  	[tilespmem:s6], [sflag:$0x2] =	stream.indirect_vreg.gather [hbm4b:s7+s2], $0x80, v2, vm0, $0xb8;
	[tilespmem:$0x12000] =	vst v63  }
0x4e: {  	s21 =	simm.s32 $0x7000  }
0x4f: {  	[tilespmem:s21], [sflag:$0x2] =	stream.indirect_vreg.gather [hbm4b:s8+s2], $0x80, v2, vm0, $0xb8;
	[tilespmem:$0x12000] =	vst v63  }
0x50: {  	s23 =	simm.s32 $0x7800  }
0x51: {  	[tilespmem:s23], [sflag:$0x2] =	stream.indirect_vreg.gather [hbm4b:s9+s2], $0x80, v2, vm0, $0xb8;
	[tilespmem:$0x12000] =	vst v63  }
0x52: {  	s6 =	simm.s32 $0x8000  }
0x53: {  	[tilespmem:s6], [sflag:$0x2] =	stream.indirect_vreg.gather [hbm4b:s10+s2], $0x80, v2, vm0, $0xb8;
	[tilespmem:$0x12000] =	vst v63  }
0x54: {  	s21 =	simm.s32 $0x8800  }
0x55: {  	[tilespmem:s21], [sflag:$0x2] =	stream.indirect_vreg.gather [hbm4b:s11+s2], $0x80, v2, vm0, $0xb8;
	[tilespmem:$0x12000] =	vst v63  }
0x56: {  	s23 =	simm.s32 $0x9000  }
0x57: {  	[tilespmem:s23], [sflag:$0x2] =	stream.indirect_vreg.gather [hbm4b:s12+s2], $0x80, v2, vm0, $0xb8;
	[tilespmem:$0x12000] =	vst v63  }
0x58: {  	s6 =	simm.s32 $0x9800  }
0x59: {  	[tilespmem:s6], [sflag:$0x2] =	stream.indirect_vreg.gather [hbm4b:s13+s2], $0x80, v2, vm0, $0xb8;
	[tilespmem:$0x12000] =	vst v63  }
0x5a: {  	v2 =	vld.msk [tilespmem:$0x100], $0xff;
	_ =	sdelay $0x4  }
0x5b: {  	v3 =	vshll.u32 v2, $0x4  }
0x5c: {  	v2 =	vand.u32 $0x7, v2;
	v3 =	vand.u32 $0xFFFFFF80, v3  }
0x5d: {  	v2 =	vor.u32 v2, v3  }
0x5e: {  	v2 =	vperm.xlane v2, v0;
	_ =	sdelay $0x1  }
0x5f: {  	v2 =	vadd.s32 v1, v2;
	_ =	sdelay $0x3  }
0x60: {  	s21 =	simm.s32 $0xA000  }
0x61: {  	[tilespmem:s21], [sflag:$0x3] =	stream.indirect_vreg.gather [hbm4b:s1+s2], $0x80, v2, vm0, $0xb8;
	[tilespmem:$0x12000] =	vst v63  }
0x62: {  	s23 =	simm.s32 $0xA800  }
0x63: {  	[tilespmem:s23], [sflag:$0x3] =	stream.indirect_vreg.gather [hbm4b:s7+s2], $0x80, v2, vm0, $0xb8;
	[tilespmem:$0x12000] =	vst v63  }
0x64: {  	s6 =	simm.s32 $0xB000  }
0x65: {  	[tilespmem:s6], [sflag:$0x3] =	stream.indirect_vreg.gather [hbm4b:s8+s2], $0x80, v2, vm0, $0xb8;
	[tilespmem:$0x12000] =	vst v63  }
0x66: {  	s21 =	simm.s32 $0xB800  }
0x67: {  	[tilespmem:s21], [sflag:$0x3] =	stream.indirect_vreg.gather [hbm4b:s9+s2], $0x80, v2, vm0, $0xb8;
	[tilespmem:$0x12000] =	vst v63  }
0x68: {  	s23 =	simm.s32 $0xC000  }
0x69: {  	[tilespmem:s23], [sflag:$0x3] =	stream.indirect_vreg.gather [hbm4b:s10+s2], $0x80, v2, vm0, $0xb8;
	[tilespmem:$0x12000] =	vst v63  }
0x6a: {  	s6 =	simm.s32 $0xC800  }
0x6b: {  	[tilespmem:s6], [sflag:$0x3] =	stream.indirect_vreg.gather [hbm4b:s11+s2], $0x80, v2, vm0, $0xb8;
	[tilespmem:$0x12000] =	vst v63  }
0x6c: {  	s21 =	simm.s32 $0xD000  }
0x6d: {  	[tilespmem:s21], [sflag:$0x3] =	stream.indirect_vreg.gather [hbm4b:s12+s2], $0x80, v2, vm0, $0xb8;
	[tilespmem:$0x12000] =	vst v63  }
0x6e: {  	s23 =	simm.s32 $0xD800  }
0x6f: {  	[tilespmem:s23], [sflag:$0x3] =	stream.indirect_vreg.gather [hbm4b:s13+s2], $0x80, v2, vm0, $0xb8;
	[tilespmem:$0x12000] =	vst v63  }
0x70: {  	v2 =	vld.msk [tilespmem:$0x180], $0xff;
	_ =	sdelay $0x4  }
0x71: {  	v3 =	vshll.u32 v2, $0x4  }
0x72: {  	v2 =	vand.u32 $0x7, v2;
	v3 =	vand.u32 $0xFFFFFF80, v3  }
0x73: {  	v2 =	vor.u32 v2, v3  }
0x74: {  	v2 =	vperm.xlane v2, v0;
	_ =	sdelay $0x1  }
0x75: {  	v2 =	vadd.s32 v1, v2;
	_ =	sdelay $0x4  }
0x76: {  	[tilespmem:s22], [sflag:$0x4] =	stream.indirect_vreg.gather [hbm4b:s1+s2], $0x80, v2, vm0, $0xb8;
	[tilespmem:$0x12000] =	vst v63  }
0x77: {  	_ = 	snop  }
0x78: {  	[tilespmem:s24], [sflag:$0x4] =	stream.indirect_vreg.gather [hbm4b:s7+s2], $0x80, v2, vm0, $0xb8;
	[tilespmem:$0x12000] =	vst v63  }
0x79: {  	_ = 	snop  }
0x7a: {  	[tilespmem:s25], [sflag:$0x4] =	stream.indirect_vreg.gather [hbm4b:s8+s2], $0x80, v2, vm0, $0xb8;
	[tilespmem:$0x12000] =	vst v63  }
0x7b: {  	_ = 	snop  }
0x7c: {  	[tilespmem:s26], [sflag:$0x4] =	stream.indirect_vreg.gather [hbm4b:s9+s2], $0x80, v2, vm0, $0xb8;
	[tilespmem:$0x12000] =	vst v63  }
0x7d: {  	_ = 	snop  }
0x7e: {  	[tilespmem:s28], [sflag:$0x4] =	stream.indirect_vreg.gather [hbm4b:s10+s2], $0x80, v2, vm0, $0xb8;
	[tilespmem:$0x12000] =	vst v63  }
0x7f: {  	_ = 	snop  }
0x80: {  	[tilespmem:s29], [sflag:$0x4] =	stream.indirect_vreg.gather [hbm4b:s11+s2], $0x80, v2, vm0, $0xb8;
	[tilespmem:$0x12000] =	vst v63  }
0x81: {  	s31 =	simm.s32 $0x11000;
	s23 =	simm.s32 $0x0;
	s24 =	simm.s32 $0xE000  }
0x82: {  	[tilespmem:s30], [sflag:$0x4] =	stream.indirect_vreg.gather [hbm4b:s12+s2], $0x80, v2, vm0, $0xb8;
	[tilespmem:$0x12000] =	vst v63  }
0x83: {  	s25 =	simm.s32 $0xE800;
	s26 =	simm.s32 $0xF000;
	s28 =	simm.s32 $0xF800  }
0x84: {  	[tilespmem:s0], [sflag:$0x4] =	stream.indirect_vreg.gather [hbm4b:s13+s2], $0x80, v2, vm0, $0xb8;
	[tilespmem:$0x12000] =	vst v63  }
0x85: {  	s29 =	simm.s32 $0x10000;
	s30 =	simm.s32 $0x10800;
	s0 =	simm.s32 $0x11800  }
.LBB2_2:
0x86: {  	s5 =	simm.s32 $0x1  }
0x87: {  	_ =	swait.ge [sflag:s5], $0x4000  }
0x88: {  	[sflag:s5] =	ssyncset.done $0x0  }
0x89: {  	[sflag:s5] =	ssyncadd.s32 $0xFFFFC000;
	s5 =	sshra.s32 s23, $0x2  }
0x8a: {  	v2 =	vld.msk [tilespmem:s5+$0x1000], $0xff;
	_ =	sdelay $0x4  }
0x8b: {  	v3 =	vshll.u32 v2, $0x4  }
0x8c: {  	v2 =	vand.u32 $0x7, v2;
	v3 =	vand.u32 $0xFFFFFF80, v3  }
0x8d: {  	v2 =	vor.u32 v2, v3  }
0x8e: {  	v2 =	vperm.xlane v2, v0;
	_ =	sdelay $0x1  }
0x8f: {  	v2 =	vadd.s32 v1, v2;
	_ =	sdelay $0x3  }
0x90: {  	s6 =	simm.s32 $0x2000  }
0x91: {  	[hbm4b:s4+s2] =	stream.indirect_vreg.scatter [tilespmem:s6], [sflag:$0x5], $0x80, v2, vm0, $0xb8;
	[tilespmem:$0x12000] =	vst v63  }
0x92: {  	s21 =	simm.s32 $0x2800  }
0x93: {  	[hbm4b:s14+s2] =	stream.indirect_vreg.scatter [tilespmem:s21], [sflag:$0x5], $0x80, v2, vm0, $0xb8;
	[tilespmem:$0x12000] =	vst v63  }
0x94: {  	s22 =	simm.s32 $0x3000  }
0x95: {  	[hbm4b:s15+s2] =	stream.indirect_vreg.scatter [tilespmem:s22], [sflag:$0x5], $0x80, v2, vm0, $0xb8;
	[tilespmem:$0x12000] =	vst v63  }
0x96: {  	s21 =	simm.s32 $0x3800  }
0x97: {  	[hbm4b:s16+s2] =	stream.indirect_vreg.scatter [tilespmem:s21], [sflag:$0x5], $0x80, v2, vm0, $0xb8;
	[tilespmem:$0x12000] =	vst v63  }
0x98: {  	s22 =	simm.s32 $0x4000  }
0x99: {  	[hbm4b:s17+s2] =	stream.indirect_vreg.scatter [tilespmem:s22], [sflag:$0x5], $0x80, v2, vm0, $0xb8;
	[tilespmem:$0x12000] =	vst v63  }
0x9a: {  	s21 =	simm.s32 $0x4800  }
0x9b: {  	[hbm4b:s18+s2] =	stream.indirect_vreg.scatter [tilespmem:s21], [sflag:$0x5], $0x80, v2, vm0, $0xb8;
	[tilespmem:$0x12000] =	vst v63  }
0x9c: {  	p0 =	seq.s32 s23, $0x3800;
	s22 =	simm.s32 $0x5000  }
0x9d: {  	[hbm4b:s19+s2] =	stream.indirect_vreg.scatter [tilespmem:s22], [sflag:$0x5], $0x80, v2, vm0, $0xb8;
	[tilespmem:$0x12000] =	vst v63  }
0x9e: {  	s6 =	simm.s32 @!p0 $0x5;
	s21 =	simm.s32 $0x5800  }
0x9f: {  	[hbm4b:s20+s2] =	stream.indirect_vreg.scatter [tilespmem:s21], [sflag:$0x5], $0x80, v2, vm0, $0xb8;
	[tilespmem:$0x12000] =	vst v63  }
0xa0: {  	_ =	swait.ge @!p0 [sflag:s6], $0x4000  }
0xa1: {  	[sflag:s6] =	ssyncset.done @!p0 $0x0  }
0xa2: {  	s21 =	sshra.s32 @!p0 s23, $0x2;
	[sflag:s6] =	ssyncadd.s32 @!p0 $0xFFFFC000  }
0xa3: {  	v2 =	vld.msk @!p0 [tilespmem:s21+$0x200], $0xff;
	_ =	sdelay $0x4  }
0xa4: {  	v3 =	vshll.u32 @!p0 v2, $0x4  }
0xa5: {  	v4 =	vlaneseq.u32 @!p0;
	v2 =	vand.u32 @!p0 $0x7, v2;
	v3 =	vand.u32 @!p0 $0xFFFFFF80, v3  }
0xa6: {  	v2 =	vor.u32 @!p0 v2, v3;
	v3 =	vand.u32 @!p0 $0x7, v4;
	v4 =	vshrl.u32 @!p0 v4, $0x3  }
0xa7: {  	v2 =	vperm.xlane @!p0 v2, v3;
	v4 =	vmul.u32 @!p0 $0x8, v4;
	_ =	sdelay $0x1  }
0xa8: {  	v2 =	vadd.s32 @!p0 v4, v2;
	_ =	sdelay $0x3  }
0xa9: {  	vm1 =	vmmov @!p0 $0xffff;
	s22 =	simm.s32 @!p0 $0x2000;
	s6 =	simm.s32 @!p0 $0x0  }
0xaa: {  	[tilespmem:s22], [sflag:$0x1] =	stream.indirect_vreg.gather @!p0 [hbm4b:s1+s6], $0x80, v2, vm1, $0xb8;
	[tilespmem:$0x12000] =	vst v63  }
0xab: {  	s22 =	simm.s32 @!p0 $0x2800  }
0xac: {  	[tilespmem:s22], [sflag:$0x1] =	stream.indirect_vreg.gather @!p0 [hbm4b:s7+s6], $0x80, v2, vm1, $0xb8;
	[tilespmem:$0x12000] =	vst v63  }
0xad: {  	s22 =	simm.s32 @!p0 $0x3000  }
0xae: {  	[tilespmem:s22], [sflag:$0x1] =	stream.indirect_vreg.gather @!p0 [hbm4b:s8+s6], $0x80, v2, vm1, $0xb8;
	[tilespmem:$0x12000] =	vst v63  }
0xaf: {  	s22 =	simm.s32 @!p0 $0x3800  }
0xb0: {  	[tilespmem:s22], [sflag:$0x1] =	stream.indirect_vreg.gather @!p0 [hbm4b:s9+s6], $0x80, v2, vm1, $0xb8;
	[tilespmem:$0x12000] =	vst v63  }
0xb1: {  	s22 =	simm.s32 @!p0 $0x4000  }
0xb2: {  	[tilespmem:s22], [sflag:$0x1] =	stream.indirect_vreg.gather @!p0 [hbm4b:s10+s6], $0x80, v2, vm1, $0xb8;
	[tilespmem:$0x12000] =	vst v63  }
0xb3: {  	s22 =	simm.s32 @!p0 $0x4800  }
0xb4: {  	[tilespmem:s22], [sflag:$0x1] =	stream.indirect_vreg.gather @!p0 [hbm4b:s11+s6], $0x80, v2, vm1, $0xb8;
	[tilespmem:$0x12000] =	vst v63  }
0xb5: {  	s22 =	simm.s32 @!p0 $0x5000  }
0xb6: {  	[tilespmem:s22], [sflag:$0x1] =	stream.indirect_vreg.gather @!p0 [hbm4b:s12+s6], $0x80, v2, vm1, $0xb8;
	[tilespmem:$0x12000] =	vst v63  }
0xb7: {  	s22 =	simm.s32 @!p0 $0x5800  }
0xb8: {  	[tilespmem:s22], [sflag:$0x1] =	stream.indirect_vreg.gather @!p0 [hbm4b:s13+s6], $0x80, v2, vm1, $0xb8;
	[tilespmem:$0x12000] =	vst v63  }
0xb9: {  	s22 =	simm.s32 $0x2  }
0xba: {  	_ =	swait.ge [sflag:s22], $0x4000  }
0xbb: {  	[sflag:s22] =	ssyncset.done $0x0  }
0xbc: {  	[sflag:s22] =	ssyncadd.s32 $0xFFFFC000  }
0xbd: {  	v2 =	vld.msk [tilespmem:s5+$0x1080], $0xff;
	_ =	sdelay $0x4  }
0xbe: {  	v5 =	vshll.u32 v2, $0x4  }
0xbf: {  	v2 =	vand.u32 $0x7, v2;
	v5 =	vand.u32 $0xFFFFFF80, v5  }
0xc0: {  	v2 =	vor.u32 v2, v5  }
0xc1: {  	v2 =	vperm.xlane v2, v0;
	_ =	sdelay $0x1  }
0xc2: {  	v2 =	vadd.s32 v1, v2;
	_ =	sdelay $0x3  }
0xc3: {  	s22 =	simm.s32 $0x6000  }
0xc4: {  	[hbm4b:s4+s2] =	stream.indirect_vreg.scatter [tilespmem:s22], [sflag:$0x6], $0x80, v2, vm0, $0xb8;
	[tilespmem:$0x12000] =	vst v63  }
0xc5: {  	s22 =	simm.s32 $0x6800  }
0xc6: {  	[hbm4b:s14+s2] =	stream.indirect_vreg.scatter [tilespmem:s22], [sflag:$0x6], $0x80, v2, vm0, $0xb8;
	[tilespmem:$0x12000] =	vst v63  }
0xc7: {  	s22 =	simm.s32 $0x7000  }
0xc8: {  	[hbm4b:s15+s2] =	stream.indirect_vreg.scatter [tilespmem:s22], [sflag:$0x6], $0x80, v2, vm0, $0xb8;
	[tilespmem:$0x12000] =	vst v63  }
0xc9: {  	s22 =	simm.s32 $0x7800  }
0xca: {  	[hbm4b:s16+s2] =	stream.indirect_vreg.scatter [tilespmem:s22], [sflag:$0x6], $0x80, v2, vm0, $0xb8;
	[tilespmem:$0x12000] =	vst v63  }
0xcb: {  	s22 =	simm.s32 $0x8000  }
0xcc: {  	[hbm4b:s17+s2] =	stream.indirect_vreg.scatter [tilespmem:s22], [sflag:$0x6], $0x80, v2, vm0, $0xb8;
	[tilespmem:$0x12000] =	vst v63  }
0xcd: {  	s22 =	simm.s32 $0x8800  }
0xce: {  	[hbm4b:s18+s2] =	stream.indirect_vreg.scatter [tilespmem:s22], [sflag:$0x6], $0x80, v2, vm0, $0xb8;
	[tilespmem:$0x12000] =	vst v63  }
0xcf: {  	s22 =	simm.s32 $0x9000  }
0xd0: {  	[hbm4b:s19+s2] =	stream.indirect_vreg.scatter [tilespmem:s22], [sflag:$0x6], $0x80, v2, vm0, $0xb8;
	[tilespmem:$0x12000] =	vst v63  }
0xd1: {  	s22 =	simm.s32 $0x9800  }
0xd2: {  	[hbm4b:s20+s2] =	stream.indirect_vreg.scatter [tilespmem:s22], [sflag:$0x6], $0x80, v2, vm0, $0xb8;
	[tilespmem:$0x12000] =	vst v63  }
0xd3: {  	s22 =	simm.s32 @!p0 $0x6  }
0xd4: {  	_ =	swait.ge @!p0 [sflag:s22], $0x4000  }
0xd5: {  	[sflag:s22] =	ssyncset.done @!p0 $0x0  }
0xd6: {  	[sflag:s22] =	ssyncadd.s32 @!p0 $0xFFFFC000  }
0xd7: {  	v2 =	vld.msk @!p0 [tilespmem:s21+$0x280], $0xff;
	_ =	sdelay $0x4  }
0xd8: {  	v5 =	vshll.u32 @!p0 v2, $0x4  }
0xd9: {  	v2 =	vand.u32 @!p0 $0x7, v2;
	v5 =	vand.u32 @!p0 $0xFFFFFF80, v5  }
0xda: {  	v2 =	vor.u32 @!p0 v2, v5  }
0xdb: {  	v2 =	vperm.xlane @!p0 v2, v3;
	_ =	sdelay $0x1  }
0xdc: {  	v2 =	vadd.s32 @!p0 v4, v2;
	_ =	sdelay $0x3  }
0xdd: {  	s22 =	simm.s32 @!p0 $0x6000  }
0xde: {  	[tilespmem:s22], [sflag:$0x2] =	stream.indirect_vreg.gather @!p0 [hbm4b:s1+s6], $0x80, v2, vm1, $0xb8;
	[tilespmem:$0x12000] =	vst v63  }
0xdf: {  	s22 =	simm.s32 @!p0 $0x6800  }
0xe0: {  	[tilespmem:s22], [sflag:$0x2] =	stream.indirect_vreg.gather @!p0 [hbm4b:s7+s6], $0x80, v2, vm1, $0xb8;
	[tilespmem:$0x12000] =	vst v63  }
0xe1: {  	s22 =	simm.s32 @!p0 $0x7000  }
0xe2: {  	[tilespmem:s22], [sflag:$0x2] =	stream.indirect_vreg.gather @!p0 [hbm4b:s8+s6], $0x80, v2, vm1, $0xb8;
	[tilespmem:$0x12000] =	vst v63  }
0xe3: {  	s22 =	simm.s32 @!p0 $0x7800  }
0xe4: {  	[tilespmem:s22], [sflag:$0x2] =	stream.indirect_vreg.gather @!p0 [hbm4b:s9+s6], $0x80, v2, vm1, $0xb8;
	[tilespmem:$0x12000] =	vst v63  }
0xe5: {  	s22 =	simm.s32 @!p0 $0x8000  }
0xe6: {  	[tilespmem:s22], [sflag:$0x2] =	stream.indirect_vreg.gather @!p0 [hbm4b:s10+s6], $0x80, v2, vm1, $0xb8;
	[tilespmem:$0x12000] =	vst v63  }
0xe7: {  	s22 =	simm.s32 @!p0 $0x8800  }
0xe8: {  	[tilespmem:s22], [sflag:$0x2] =	stream.indirect_vreg.gather @!p0 [hbm4b:s11+s6], $0x80, v2, vm1, $0xb8;
	[tilespmem:$0x12000] =	vst v63  }
0xe9: {  	s22 =	simm.s32 @!p0 $0x9000  }
0xea: {  	[tilespmem:s22], [sflag:$0x2] =	stream.indirect_vreg.gather @!p0 [hbm4b:s12+s6], $0x80, v2, vm1, $0xb8;
	[tilespmem:$0x12000] =	vst v63  }
0xeb: {  	s22 =	simm.s32 @!p0 $0x9800  }
0xec: {  	[tilespmem:s22], [sflag:$0x2] =	stream.indirect_vreg.gather @!p0 [hbm4b:s13+s6], $0x80, v2, vm1, $0xb8;
	[tilespmem:$0x12000] =	vst v63  }
0xed: {  	s22 =	simm.s32 $0x3  }
0xee: {  	_ =	swait.ge [sflag:s22], $0x4000  }
0xef: {  	[sflag:s22] =	ssyncset.done $0x0  }
0xf0: {  	[sflag:s22] =	ssyncadd.s32 $0xFFFFC000  }
0xf1: {  	v2 =	vld.msk [tilespmem:s5+$0x1100], $0xff;
	_ =	sdelay $0x4  }
0xf2: {  	v63 =	vshll.u32 v2, $0x4  }
0xf3: {  	v2 =	vand.u32 $0x7, v2;
	v5 =	vand.u32 $0xFFFFFF80, v63  }
0xf4: {  	v2 =	vor.u32 v2, v5  }
0xf5: {  	v2 =	vperm.xlane v2, v0;
	_ =	sdelay $0x1  }
0xf6: {  	v2 =	vadd.s32 v1, v2;
	_ =	sdelay $0x3  }
0xf7: {  	s22 =	simm.s32 $0xA000  }
0xf8: {  	[hbm4b:s4+s2] =	stream.indirect_vreg.scatter [tilespmem:s22], [sflag:$0x7], $0x80, v2, vm0, $0xb8;
	[tilespmem:$0x12000] =	vst v63  }
0xf9: {  	s22 =	simm.s32 $0xA800  }
0xfa: {  	[hbm4b:s14+s2] =	stream.indirect_vreg.scatter [tilespmem:s22], [sflag:$0x7], $0x80, v2, vm0, $0xb8;
	[tilespmem:$0x12000] =	vst v63  }
0xfb: {  	s22 =	simm.s32 $0xB000  }
0xfc: {  	[hbm4b:s15+s2] =	stream.indirect_vreg.scatter [tilespmem:s22], [sflag:$0x7], $0x80, v2, vm0, $0xb8;
	[tilespmem:$0x12000] =	vst v63  }
0xfd: {  	s22 =	simm.s32 $0xB800  }
0xfe: {  	[hbm4b:s16+s2] =	stream.indirect_vreg.scatter [tilespmem:s22], [sflag:$0x7], $0x80, v2, vm0, $0xb8;
	[tilespmem:$0x12000] =	vst v63  }
0xff: {  	s22 =	simm.s32 $0xC000  }
0x100: {  	[hbm4b:s17+s2] =	stream.indirect_vreg.scatter [tilespmem:s22], [sflag:$0x7], $0x80, v2, vm0, $0xb8;
	[tilespmem:$0x12000] =	vst v63  }
0x101: {  	s22 =	simm.s32 $0xC800  }
0x102: {  	[hbm4b:s18+s2] =	stream.indirect_vreg.scatter [tilespmem:s22], [sflag:$0x7], $0x80, v2, vm0, $0xb8;
	[tilespmem:$0x12000] =	vst v63  }
0x103: {  	s22 =	simm.s32 $0xD000  }
0x104: {  	[hbm4b:s19+s2] =	stream.indirect_vreg.scatter [tilespmem:s22], [sflag:$0x7], $0x80, v2, vm0, $0xb8;
	[tilespmem:$0x12000] =	vst v63  }
0x105: {  	s22 =	simm.s32 $0xD800  }
0x106: {  	[hbm4b:s20+s2] =	stream.indirect_vreg.scatter [tilespmem:s22], [sflag:$0x7], $0x80, v2, vm0, $0xb8;
	[tilespmem:$0x12000] =	vst v63  }
0x107: {  	s22 =	simm.s32 @!p0 $0x7  }
0x108: {  	_ =	swait.ge @!p0 [sflag:s22], $0x4000  }
0x109: {  	[sflag:s22] =	ssyncset.done @!p0 $0x0  }
0x10a: {  	[sflag:s22] =	ssyncadd.s32 @!p0 $0xFFFFC000  }
0x10b: {  	v2 =	vld.msk @!p0 [tilespmem:s21+$0x300], $0xff;
	_ =	sdelay $0x4  }
0x10c: {  	v5 =	vshll.u32 @!p0 v2, $0x4  }
0x10d: {  	v2 =	vand.u32 @!p0 $0x7, v2;
	v5 =	vand.u32 @!p0 $0xFFFFFF80, v5  }
0x10e: {  	v2 =	vor.u32 @!p0 v2, v5  }
0x10f: {  	v2 =	vperm.xlane @!p0 v2, v3;
	_ =	sdelay $0x1  }
0x110: {  	v2 =	vadd.s32 @!p0 v4, v2;
	_ =	sdelay $0x3  }
0x111: {  	s21 =	simm.s32 @!p0 $0xA000  }
0x112: {  	[tilespmem:s21], [sflag:$0x3] =	stream.indirect_vreg.gather @!p0 [hbm4b:s1+s6], $0x80, v2, vm1, $0xb8;
	[tilespmem:$0x12000] =	vst v63  }
0x113: {  	s21 =	simm.s32 @!p0 $0xA800  }
0x114: {  	[tilespmem:s21], [sflag:$0x3] =	stream.indirect_vreg.gather @!p0 [hbm4b:s7+s6], $0x80, v2, vm1, $0xb8;
	[tilespmem:$0x12000] =	vst v63  }
0x115: {  	s21 =	simm.s32 @!p0 $0xB000  }
0x116: {  	[tilespmem:s21], [sflag:$0x3] =	stream.indirect_vreg.gather @!p0 [hbm4b:s8+s6], $0x80, v2, vm1, $0xb8;
	[tilespmem:$0x12000] =	vst v63  }
0x117: {  	s21 =	simm.s32 @!p0 $0xB800  }
0x118: {  	[tilespmem:s21], [sflag:$0x3] =	stream.indirect_vreg.gather @!p0 [hbm4b:s9+s6], $0x80, v2, vm1, $0xb8;
	[tilespmem:$0x12000] =	vst v63  }
0x119: {  	s21 =	simm.s32 @!p0 $0xC000  }
0x11a: {  	[tilespmem:s21], [sflag:$0x3] =	stream.indirect_vreg.gather @!p0 [hbm4b:s10+s6], $0x80, v2, vm1, $0xb8;
	[tilespmem:$0x12000] =	vst v63  }
0x11b: {  	s21 =	simm.s32 @!p0 $0xC800  }
0x11c: {  	[tilespmem:s21], [sflag:$0x3] =	stream.indirect_vreg.gather @!p0 [hbm4b:s11+s6], $0x80, v2, vm1, $0xb8;
	[tilespmem:$0x12000] =	vst v63  }
0x11d: {  	s21 =	simm.s32 @!p0 $0xD000  }
0x11e: {  	[tilespmem:s21], [sflag:$0x3] =	stream.indirect_vreg.gather @!p0 [hbm4b:s12+s6], $0x80, v2, vm1, $0xb8;
	[tilespmem:$0x12000] =	vst v63  }
0x11f: {  	s22 =	simm.s32 $0x4;
	s21 =	simm.s32 @!p0 $0xD800  }
0x120: {  	[tilespmem:s21], [sflag:$0x3] =	stream.indirect_vreg.gather @!p0 [hbm4b:s13+s6], $0x80, v2, vm1, $0xb8;
	[tilespmem:$0x12000] =	vst v63  }
0x121: {  	_ =	swait.ge [sflag:s22], $0x4000  }
0x122: {  	[sflag:s22] =	ssyncset.done $0x0  }
0x123: {  	[sflag:s22] =	ssyncadd.s32 $0xFFFFC000  }
0x124: {  	v2 =	vld.msk [tilespmem:s5+$0x1180], $0xff;
	_ =	sdelay $0x4  }
0x125: {  	v3 =	vshll.u32 v2, $0x4  }
0x126: {  	v2 =	vand.u32 $0x7, v2;
	v3 =	vand.u32 $0xFFFFFF80, v3  }
0x127: {  	v2 =	vor.u32 v2, v3  }
0x128: {  	v2 =	vperm.xlane v2, v0;
	_ =	sdelay $0x1  }
0x129: {  	v2 =	vadd.s32 v1, v2;
	_ =	sdelay $0x4  }
0x12a: {  	[hbm4b:s4+s2] =	stream.indirect_vreg.scatter [tilespmem:s24], [sflag:$0x8], $0x80, v2, vm0, $0xb8;
	[tilespmem:$0x12000] =	vst v63  }
0x12b: {  	_ = 	snop  }
0x12c: {  	[hbm4b:s14+s2] =	stream.indirect_vreg.scatter [tilespmem:s25], [sflag:$0x8], $0x80, v2, vm0, $0xb8;
	[tilespmem:$0x12000] =	vst v63  }
0x12d: {  	_ = 	snop  }
0x12e: {  	[hbm4b:s15+s2] =	stream.indirect_vreg.scatter [tilespmem:s26], [sflag:$0x8], $0x80, v2, vm0, $0xb8;
	[tilespmem:$0x12000] =	vst v63  }
0x12f: {  	_ = 	snop  }
0x130: {  	[hbm4b:s16+s2] =	stream.indirect_vreg.scatter [tilespmem:s28], [sflag:$0x8], $0x80, v2, vm0, $0xb8;
	[tilespmem:$0x12000] =	vst v63  }
0x131: {  	_ = 	snop  }
0x132: {  	[hbm4b:s17+s2] =	stream.indirect_vreg.scatter [tilespmem:s29], [sflag:$0x8], $0x80, v2, vm0, $0xb8;
	[tilespmem:$0x12000] =	vst v63  }
0x133: {  	_ = 	snop  }
0x134: {  	[hbm4b:s18+s2] =	stream.indirect_vreg.scatter [tilespmem:s30], [sflag:$0x8], $0x80, v2, vm0, $0xb8;
	[tilespmem:$0x12000] =	vst v63  }
.Ltmp2:
0x135: {  	s22 =	simm.s32 $0xE000;
	s24 =	simm.s32 $0xE800;
	(pc) =	sbr.rel @p0 .LBB2_4-.Ltmp2, $4  }
0x136: {  	[hbm4b:s19+s2] =	stream.indirect_vreg.scatter [tilespmem:s31], [sflag:$0x8], $0x80, v2, vm0, $0xb8;
	[tilespmem:$0x12000] =	vst v63  }
0x137: {  	s25 =	simm.s32 $0xF000;
	s26 =	simm.s32 $0xF800;
	s28 =	simm.s32 $0x10000  }
0x138: {  	[hbm4b:s20+s2] =	stream.indirect_vreg.scatter [tilespmem:s0], [sflag:$0x8], $0x80, v2, vm0, $0xb8;
	[tilespmem:$0x12000] =	vst v63  }
0x139: {  	s29 =	simm.s32 $0x10800;
	s30 =	simm.s32 $0x11000;
	s0 =	simm.s32 $0x11800  }
0x13a: {  	_ =	swait.ge [sflag:s3], $0x4000  }
0x13b: {  	[sflag:s3] =	ssyncset.done $0x0  }
0x13c: {  	[sflag:s3] =	ssyncadd.s32 $0xFFFFC000  }
0x13d: {  	v2 =	vld.msk [tilespmem:s5+$0x380], $0xff;
	_ =	sdelay $0x4  }
0x13e: {  	v3 =	vshll.u32 v2, $0x4  }
0x13f: {  	v2 =	vand.u32 $0x7, v2;
	v3 =	vand.u32 $0xFFFFFF80, v3  }
0x140: {  	v2 =	vor.u32 v2, v3  }
0x141: {  	v2 =	vperm.xlane v2, v0;
	_ =	sdelay $0x1  }
0x142: {  	v2 =	vadd.s32 v1, v2;
	_ =	sdelay $0x4  }
0x143: {  	[tilespmem:s22], [sflag:$0x4] =	stream.indirect_vreg.gather [hbm4b:s1+s2], $0x80, v2, vm0, $0xb8;
	[tilespmem:$0x12000] =	vst v63  }
0x144: {  	_ = 	snop  }
0x145: {  	[tilespmem:s24], [sflag:$0x4] =	stream.indirect_vreg.gather [hbm4b:s7+s2], $0x80, v2, vm0, $0xb8;
	[tilespmem:$0x12000] =	vst v63  }
0x146: {  	_ = 	snop  }
0x147: {  	[tilespmem:s25], [sflag:$0x4] =	stream.indirect_vreg.gather [hbm4b:s8+s2], $0x80, v2, vm0, $0xb8;
	[tilespmem:$0x12000] =	vst v63  }
0x148: {  	_ = 	snop  }
0x149: {  	[tilespmem:s26], [sflag:$0x4] =	stream.indirect_vreg.gather [hbm4b:s9+s2], $0x80, v2, vm0, $0xb8;
	[tilespmem:$0x12000] =	vst v63  }
0x14a: {  	_ = 	snop  }
0x14b: {  	[tilespmem:s28], [sflag:$0x4] =	stream.indirect_vreg.gather [hbm4b:s10+s2], $0x80, v2, vm0, $0xb8;
	[tilespmem:$0x12000] =	vst v63  }
0x14c: {  	s23 =	sadd.s32 $0x800, s23  }
0x14d: {  	[tilespmem:s29], [sflag:$0x4] =	stream.indirect_vreg.gather [hbm4b:s11+s2], $0x80, v2, vm0, $0xb8;
	[tilespmem:$0x12000] =	vst v63  }
.Ltmp3:
0x14e: {  	s31 =	simm.s32 $0x11000;
	s24 =	simm.s32 $0xE000;
	(pc) =	sbr.rel .LBB2_2-.Ltmp3, $4  }
0x14f: {  	[tilespmem:s30], [sflag:$0x4] =	stream.indirect_vreg.gather [hbm4b:s12+s2], $0x80, v2, vm0, $0xb8;
	[tilespmem:$0x12000] =	vst v63  }
0x150: {  	s25 =	simm.s32 $0xE800;
	s26 =	simm.s32 $0xF000;
	s28 =	simm.s32 $0xF800  }
0x151: {  	[tilespmem:s0], [sflag:$0x4] =	stream.indirect_vreg.gather [hbm4b:s13+s2], $0x80, v2, vm0, $0xb8;
	[tilespmem:$0x12000] =	vst v63  }
0x152: {  	s29 =	simm.s32 $0x10000;
	s30 =	simm.s32 $0x10800;
	s0 =	simm.s32 $0x11800  }
.LBB2_5:
0x153: {  	_ =	sfence.sel $0x180000  }
0x154: {  	[bflag:$0x0] =	sbarrier.arrive $0xFFFF  }
0x155: {  	_ =	strace $0x90000047  }
0x156: {  	s0 =	stileid.u32;
	[bflag:$0x2] =	sbarrier.arrive $0xFFFF  }
0x157: {  	p0 =	sne.s32 s0, $0x0;
	s0 =	rddreg [dreg:$0x3]  }
0x158: {  	s0 =	sadd.s32 @!p0 $0x100000, s0  }
0x159: {  	[sflag:s0] =	ssyncadd.tile.s32 @!p0 $0x1;
	_ =	shalt  }
.Lfunc_end2:
_tile_overlayer_lowered:
.L_overlay_start_2:
0x15a: {  	(tag) =	ssettag $0x2  }
0x15b: {  	s0 =	rddreg [dreg:$0x0];
	s2 =	stileid.u32  }
0x15c: {  	s1 =	rddreg [dreg:$0x1];
	p0 =	sne.s32 s2, $0x0  }
0x15d: {  	s3 =	rddreg [dreg:$0x2];
	[bflag:$0x3] =	sbarrier.arrive $0xFFFF;
	s2 =	simm.s32 @!p0 $0x1C09  }
0x15e: {  	[timem:s3], [sflag:s2] =	dma.local @!p0 [hbm:s0], s1  }
0x15f: {  	s0 =	simm.s32 @!p0 $0x9  }
0x160: {  	_ =	swait.ge @!p0 [sflag:s0], s1  }
0x161: {  	s1 =	ssub.s32 @!p0 $0x0, s1;
	[sflag:s0] =	ssyncset.done @!p0 $0x0  }
0x162: {  	[sflag:s0] =	ssyncadd.s32 @!p0 s1  }
0x163: {  	[bflag:$0x3] =	sbarrier.arrive $0xFFFF  }
0x164: {  	_ =	shalt  }

</sc_bundles>
